<compile_context>
chip_gen: v7x
topology: tpu7x:2x2x1
jax: 0.10.2.dev20260603
libtpu: 0.0.44.dev20260713+nightly
codegen_flags: <defaults>
</compile_context>

<pallas_src>
import functools

import jax
import jax.numpy as jnp
from jax import lax
from jax.experimental import pallas as pl
from jax.experimental.pallas import tpu as pltpu
from jax.experimental.pallas import tpu_sc as plsc

_NB = 256


def _local_body(xt_ref, ab_ref, mall_ref, wv_ref, wn_ref,
                lf_ref, att_ref, nall_ref):
    xb = xt_ref[0]
    xs = xb[:64] + xb[64:]
    ab = ab_ref[0]
    qt = lax.dot_general(mall_ref[...], ab, (((1,), (0,)), ((), ())),
                         preferred_element_type=jnp.float32)
    nall_ref[0] = lax.dot_general(wn_ref[...], ab, (((1,), (0,)), ((), ())),
                                  preferred_element_type=jnp.float32)
    for g in range(4):
        qg = qt[64 * g:64 * g + 64]
        logits = jnp.sum(xs * qg[:, None, :], axis=0)
        m = jnp.max(logits, axis=0, keepdims=True)
        e = jnp.exp(logits - m)
        a = e / jnp.sum(e, axis=0, keepdims=True)
        att_ref[0, g] = a
        yg = jnp.sum(xb * a[None], axis=1)
        lf_ref[0, 24 * g:24 * g + 24] = lax.dot_general(
            wv_ref[24 * g:24 * g + 24, :], yg, (((1,), (0,)), ((), ())),
            preferred_element_type=jnp.float32)


def _local_call(xt, ab, mall, wv, wn):
    B, C, K, N = xt.shape
    nblk = pl.cdiv(N, _NB)
    return pl.pallas_call(
        _local_body,
        grid=(B, nblk),
        in_specs=[
            pl.BlockSpec((1, C, K, _NB), lambda b, j: (b, 0, 0, j)),
            pl.BlockSpec((1, 64, _NB), lambda b, j: (b, 0, j)),
            pl.BlockSpec((256, 64), lambda b, j: (0, 0)),
            pl.BlockSpec((96, 128), lambda b, j: (0, 0)),
            pl.BlockSpec((128, 64), lambda b, j: (0, 0)),
        ],
        out_specs=[
            pl.BlockSpec((1, 96, _NB), lambda b, j: (b, 0, j)),
            pl.BlockSpec((1, 4, K, _NB), lambda b, j: (b, 0, 0, j)),
            pl.BlockSpec((1, 128, _NB), lambda b, j: (b, 0, j)),
        ],
        out_shape=[
            jax.ShapeDtypeStruct((B, 96, N), jnp.float32),
            jax.ShapeDtypeStruct((B, 4, K, N), jnp.float32),
            jax.ShapeDtypeStruct((B, 128, N), jnp.float32),
        ],
    )(xt, ab, mall, wv, wn)


def _centrality_sc(att2, idxt):
    B, G, KN = att2.shape
    N = 10000
    npart = 4
    chunk = KN // npart
    mesh = plsc.VectorSubcoreMesh(core_axis_name="c", subcore_axis_name="s")

    @functools.partial(
        pl.kernel,
        mesh=mesh,
        compiler_params=pltpu.CompilerParams(needs_layout_passes=False),
        out_type=jax.ShapeDtypeStruct((B * G * npart * N,), jnp.float32),
        scratch_types=[
            pltpu.VMEM((chunk,), jnp.float32),
            pltpu.VMEM((chunk,), jnp.int32),
            pltpu.VMEM((N,), jnp.float32),
        ],
    )
    def run(att_hbm, idx_hbm, out_hbm, att_v, idx_v, cent_v):
        wid = lax.axis_index("s") * 2 + lax.axis_index("c")
        pair = wid // npart
        part = wid % npart
        b = pair // G

        def zero_body(i, _):
            cent_v[pl.ds(i * 16, 16)] = jnp.zeros((16,), jnp.float32)
            return 0
        lax.fori_loop(0, N // 16, zero_body, 0)

        pltpu.sync_copy(att_hbm.at[pl.ds(pair * KN + part * chunk, chunk)],
                        att_v)
        pltpu.sync_copy(idx_hbm.at[pl.ds(b * KN + part * chunk, chunk)],
                        idx_v)

        lane = lax.iota(jnp.int32, 16)
        masks = [lane == j for j in range(16)]

        def acc_body(i, _):
            av = att_v[pl.ds(i * 16, 16)]
            iv = idx_v[pl.ds(i * 16, 16)]
            for mj in masks:
                plsc.addupdate_scatter(cent_v, [iv], av, mask=mj)
            return 0
        lax.fori_loop(0, chunk // 16, acc_body, 0)

        pltpu.sync_copy(cent_v, out_hbm.at[pl.ds(wid * N, N)])

    out = run(att2.reshape(-1), idxt.reshape(-1))
    return out.reshape(B, G, npart, N)


def _topk_body(centp_ref, nall_ref, tv_ref, nksel_ref, nvj_ref):
    G, P, N = centp_ref.shape[1:]
    K = 16
    cent = jnp.sum(centp_ref[0], axis=1)
    iota = lax.broadcasted_iota(jnp.int32, (G, N), 1)
    tvs, tis = [], []
    for _ in range(K):
        m = jnp.max(cent, axis=1, keepdims=True)
        am = jnp.min(jnp.where(cent == m, iota, N), axis=1, keepdims=True)
        cent = jnp.where(iota == am, -1.0, cent)
        tvs.append(m)
        tis.append(am)
    tv = jnp.concatenate(tvs, axis=1)
    ti = jnp.concatenate(tis, axis=1)
    tv_ref[0] = tv
    nall = nall_ref[0]
    iota_n = lax.broadcasted_iota(jnp.int32, (N, K), 0)
    for g in range(4):
        oh = (iota_n == ti[g:g + 1, :]).astype(jnp.float32)
        nksel_ref[0, 8 * g:8 * g + 8] = lax.dot_general(
            nall[32 + 8 * g:40 + 8 * g], oh, (((1,), (0,)), ((), ())),
            preferred_element_type=jnp.float32)
        nvj_ref[0, 8 * g:8 * g + 8] = lax.dot_general(
            nall[96 + 8 * g:104 + 8 * g], oh, (((1,), (0,)), ((), ())),
            preferred_element_type=jnp.float32)


def _topk_call(centp, nall):
    B, G, P, N = centp.shape
    K = 16
    return pl.pallas_call(
        _topk_body,
        grid=(B,),
        in_specs=[
            pl.BlockSpec((1, G, P, N), lambda b: (b, 0, 0, 0)),
            pl.BlockSpec((1, 128, N), lambda b: (b, 0, 0)),
        ],
        out_specs=[
            pl.BlockSpec((1, G, K), lambda b: (b, 0, 0)),
            pl.BlockSpec((1, 32, K), lambda b: (b, 0, 0)),
            pl.BlockSpec((1, 32, K), lambda b: (b, 0, 0)),
        ],
        out_shape=[
            jax.ShapeDtypeStruct((B, G, K), jnp.float32),
            jax.ShapeDtypeStruct((B, 32, K), jnp.float32),
            jax.ShapeDtypeStruct((B, 32, K), jnp.float32),
        ],
    )(centp, nall)


def _nl_body(nall_ref, tv_ref, nksel_ref, nvj_ref, nl_ref):
    nall = nall_ref[0]
    for g in range(4):
        nq_g = nall[8 * g:8 * g + 8]
        nvi_g = nall[64 + 8 * g:72 + 8 * g]
        nvij_g = nall[96 + 8 * g:104 + 8 * g]
        ks = nksel_ref[0, 8 * g:8 * g + 8]
        logits = lax.dot_general(ks, nq_g, (((0,), (0,)), ((), ())),
                                 preferred_element_type=jnp.float32)
        m = jnp.max(logits, axis=0, keepdims=True)
        e = jnp.exp(logits - m)
        attn = e / jnp.sum(e, axis=0, keepdims=True)
        tvr = tv_ref[0, g:g + 1, :]
        rows9 = jnp.concatenate(
            [nvj_ref[0, 8 * g:8 * g + 8] * tvr, tvr], axis=0)
        ts = lax.dot_general(rows9, attn, (((1,), (0,)), ((), ())),
                             preferred_element_type=jnp.float32)
        nl_ref[0, 8 * g:8 * g + 8] = nvi_g + ts[:8] - nvij_g * ts[8:9]


def _nl_call(nall, tv, nksel, nvj):
    B, _, N = nall.shape
    K = 16
    nblk = pl.cdiv(N, _NB)
    return pl.pallas_call(
        _nl_body,
        grid=(B, nblk),
        in_specs=[
            pl.BlockSpec((1, 128, _NB), lambda b, j: (b, 0, j)),
            pl.BlockSpec((1, 4, K), lambda b, j: (b, 0, 0)),
            pl.BlockSpec((1, 32, K), lambda b, j: (b, 0, 0)),
            pl.BlockSpec((1, 32, K), lambda b, j: (b, 0, 0)),
        ],
        out_specs=pl.BlockSpec((1, 32, _NB), lambda b, j: (b, 0, j)),
        out_shape=jax.ShapeDtypeStruct((B, 32, N), jnp.float32),
    )(nall, tv, nksel, nvj)


def kernel(x, abs_x, idx, points, Wq, Wk, Wv, Wnq, Wnk, Wnv1, Wnv2):
    B, C, N, K = x.shape
    G = 4
    xt = jnp.transpose(x, (0, 1, 3, 2))
    ab = abs_x[..., 0]
    mall = jnp.concatenate(
        [Wk[24 * g:24 * g + 24].T @ Wq[24 * g:24 * g + 24] for g in range(G)],
        axis=0)
    wn = jnp.concatenate([Wnq, Wnk, Wnv1, Wnv2], axis=0)

    lf, att, nall = _local_call(xt, ab, mall, Wv, wn)

    att2 = att.reshape(B, G, K * N)
    idxt = jnp.transpose(idx[:, 0], (0, 2, 1)).reshape(B, K * N)
    idxt = idxt.astype(jnp.int32)
    centp = _centrality_sc(att2, idxt)

    tv, nksel, nvj = _topk_call(centp, nall)
    nl = _nl_call(nall, tv, nksel, nvj)

    return jnp.concatenate([lf, nl], axis=1).reshape(B, 128, N, 1)

# --- scband reference (transcript-rebuilt; emitter-appended) ---
"""Pipeline reference for scband-attention-conv-16157666968298 (READ-ONLY COPY).

The authoritative reference and input builder live on the scoring server;
editing this copy changes nothing except your own understanding.
"""

import jax, jax.numpy as jnp
import numpy as np


def conv1x1(W, x):
    # 1x1 Conv2d without bias: W is [out_ch, in_ch], x is [B, in_ch, H, W]
    return jnp.einsum('oi,binm->bonm', W, x)


def setup_inputs(seed: int = 0) -> dict:
    key = jax.random.key(seed)
    ks = jax.random.split(key, 12)
    B, C, N, K = 2, 128, 10000, 16
    l_ch, nl_ch = 96, 32
    x = jax.random.normal(ks[0], (B, C, N, K), dtype=jnp.float32)
    abs_x = jax.random.normal(ks[1], (B, C // 2, N, 1), dtype=jnp.float32)
    idx = jax.random.randint(ks[2], (B, 1, N, K), 0, N)
    points = jax.random.normal(ks[3], (B, 3, N), dtype=jnp.float32)
    s = 0.1
    Wq = jax.random.normal(ks[4], (l_ch, C // 2), dtype=jnp.float32) * s
    Wk = jax.random.normal(ks[5], (l_ch, C // 2), dtype=jnp.float32) * s
    Wv = jax.random.normal(ks[6], (l_ch, C), dtype=jnp.float32) * s
    Wnq = jax.random.normal(ks[7], (nl_ch, C // 2), dtype=jnp.float32) * s
    Wnk = jax.random.normal(ks[8], (nl_ch, C // 2), dtype=jnp.float32) * s
    Wnv1 = jax.random.normal(ks[9], (nl_ch, C // 2), dtype=jnp.float32) * s
    Wnv2 = jax.random.normal(ks[10], (nl_ch, C // 2), dtype=jnp.float32) * s
    return {'x': x, 'abs_x': abs_x, 'idx': idx, 'points': points,
            'Wq': Wq, 'Wk': Wk, 'Wv': Wv, 'Wnq': Wnq, 'Wnk': Wnk, 'Wnv1': Wnv1, 'Wnv2': Wnv2}


def reference(x, abs_x, idx, points, Wq, Wk, Wv, Wnq, Wnk, Wnv1, Wnv2):
    B, C, N, K = x.shape
    G = 4
    l_ch = 96
    nl_ch = 32
    # ---- 1. Local attention over kNN neighborhoods ----
    lq = conv1x1(Wq, abs_x).reshape(B, G, l_ch // G, N, 1)
    lk = conv1x1(Wk, x[:, C // 2:, :, :] + x[:, :C // 2, :, :]).reshape(B, G, l_ch // G, N, K)
    lv = conv1x1(Wv, x).reshape(B, G, l_ch // G, N, K)
    att = jax.nn.softmax((lq * lk).sum(2), axis=-1)  # [B, G, N, K]
    local_feature = jnp.einsum('bgnk,bgcnk->bgcn', att, lv).reshape(B, l_ch, N, 1)
    # ---- scatter_sparse_attention_centrality: scatter-add attention into node centrality,
    #      then top-K node selection per (batch, group) ----
    idx_b = jnp.broadcast_to(idx, (B, G, N, K))
    base = (jnp.arange(B * G) * N).reshape(B, G, 1, 1)
    flat_idx = (idx_b + base).reshape(-1)
    cent = jnp.zeros((B * G * N,), dtype=att.dtype).at[flat_idx].add(att.reshape(-1)).reshape(B, G, N)
    idx_value, idx_score = jax.lax.top_k(cent, K)  # [B, G, K]
    idx_value = idx_value.reshape(B, G, 1, K)
    idx_score = idx_score.reshape(B, G, 1, K)
    # ---- 2. Non-local MHA over selected nodes ----
    nq = conv1x1(Wnq, abs_x).reshape(B, G, nl_ch // G, N)
    nk = conv1x1(Wnk, abs_x).reshape(B, G, nl_ch // G, N)
    nvi = conv1x1(Wnv1, abs_x).reshape(B, G, nl_ch // G, N)
    nvij_i = conv1x1(Wnv2, abs_x).reshape(B, G, nl_ch // G, N)
    gi = jnp.broadcast_to(idx_score, (B, G, nl_ch // G, K))
    nk_sel = jnp.take_along_axis(nk, gi, axis=3)       # [B, G, C', K]
    nvij_j = jnp.take_along_axis(nvij_i, gi, axis=3)   # [B, G, C', K]
    attn_nl = jax.nn.softmax((nq[:, :, :, :, None] * nk_sel[:, :, :, None, :]).sum(2), axis=-1)  # [B, G, N, K]
    val = (nvi[:, :, :, :, None]
           + idx_value[:, :, :, None, :] * (nvij_j[:, :, :, None, :] - nvij_i[:, :, :, :, None]))
    nl_feature = jnp.einsum('bgnk,bgcnk->bgcn', attn_nl, val).reshape(B, nl_ch, N, 1)
    return jnp.concatenate([local_feature, nl_feature], axis=1)  # [B, out_channels, N, 1]

if __name__ == "__main__":
    import jax
    _d = setup_inputs()
    print(jax.jit(kernel)(*tuple(_d.values())))

</pallas_src>

<mosaic_0001>
#map = affine_map<(d0, d1) -> (0)>
module attributes {stable_mosaic.version = 14 : i64} {
  func.func @run(%arg0: i32, %arg1: i32, %arg2: memref<1280000xf32, #tpu.memory_space<hbm>>, %arg3: memref<320000xi32, #tpu.memory_space<hbm>>, %arg4: memref<320000xf32, #tpu.memory_space<hbm>>, %arg5: memref<40000xf32, #tpu.memory_space<vmem>>, %arg6: memref<40000xi32, #tpu.memory_space<vmem>>, %arg7: memref<10000xf32, #tpu.memory_space<vmem>>) attributes {dimension_semantics = [#tpu.dimension_semantics<core_parallel>, #tpu.dimension_semantics<subcore_parallel>], iteration_bounds = array<i64: 2, 16>, scalar_prefetch = 0 : i64, scratch_operands = 3 : i64, tpu.core_type = #tpu.core_type<sc_vector_subcore>, window_params = [{transform_indices = #map}, {transform_indices = #map}, {transform_indices = #map}]} {
    %mul3A = arith.constant 2 : i32
    %mul3A_0 = arith.muli %arg1, %mul3A : i32
    %add3A = arith.addi %mul3A_0, %arg0 : i32
    %jit3A = arith.constant 4 : i32
    %div3A = arith.divsi %add3A, %jit3A : i32
    %sign3A = arith.constant 0 : i32
    %sign3A_1 = arith.cmpi sgt, %add3A, %sign3A : i32
    %sign3A_2 = arith.extui %sign3A_1 : i1 to i32
    %sign3A_3 = arith.constant 0 : i32
    %sign3A_4 = arith.cmpi slt, %add3A, %sign3A_3 : i32
    %sign3A_5 = arith.extui %sign3A_4 : i1 to i32
    %sign3A_6 = arith.subi %sign3A_2, %sign3A_5 : i32
    %sign3A_7 = arith.constant 0 : i32
    %sign3A_8 = arith.cmpi sgt, %jit3A, %sign3A_7 : i32
    %sign3A_9 = arith.extui %sign3A_8 : i1 to i32
    %sign3A_10 = arith.constant 0 : i32
    %sign3A_11 = arith.cmpi slt, %jit3A, %sign3A_10 : i32
    %sign3A_12 = arith.extui %sign3A_11 : i1 to i32
    %sign3A_13 = arith.subi %sign3A_9, %sign3A_12 : i32
    %ne3A = arith.cmpi ne, %sign3A_6, %sign3A_13 : i32
    %rem3A = arith.remsi %add3A, %jit3A : i32
    %ne3A_14 = arith.constant 0 : i32
    %ne3A_15 = arith.cmpi ne, %rem3A, %ne3A_14 : i32
    %and3A = arith.andi %ne3A, %ne3A_15 : i1
    %sub3A = arith.constant 1 : i32
    %sub3A_16 = arith.subi %div3A, %sub3A : i32
    %select_n3A = arith.select %and3A, %sub3A_16, %div3A : i32
    %jit3A_17 = arith.constant 4 : i32
    %eq3A = arith.constant 0 : i32
    %eq3A_18 = arith.cmpi eq, %jit3A_17, %eq3A : i32
    %jit3A_19 = arith.constant 1 : i32
    %select_n3A_20 = arith.select %eq3A_18, %jit3A_19, %jit3A_17 : i32
    %rem3A_21 = arith.remsi %add3A, %select_n3A_20 : i32
    %ne3A_22 = arith.constant 0 : i32
    %ne3A_23 = arith.cmpi ne, %rem3A_21, %ne3A_22 : i32
    %lt3A = arith.constant 0 : i32
    %lt3A_24 = arith.cmpi slt, %rem3A_21, %lt3A : i32
    %lt3A_25 = arith.constant 0 : i32
    %lt3A_26 = arith.cmpi slt, %select_n3A_20, %lt3A_25 : i32
    %ne3A_27 = arith.xori %lt3A_24, %lt3A_26 : i1
    %and3A_28 = arith.andi %ne3A_27, %ne3A_23 : i1
    %add3A_29 = arith.addi %rem3A_21, %select_n3A_20 : i32
    %select_n3A_30 = arith.select %and3A_28, %add3A_29, %rem3A_21 : i32
    %jit3A_31 = arith.constant 4 : i32
    %div3A_32 = arith.divsi %select_n3A, %jit3A_31 : i32
    %sign3A_33 = arith.constant 0 : i32
    %sign3A_34 = arith.cmpi sgt, %select_n3A, %sign3A_33 : i32
    %sign3A_35 = arith.extui %sign3A_34 : i1 to i32
    %sign3A_36 = arith.constant 0 : i32
    %sign3A_37 = arith.cmpi slt, %select_n3A, %sign3A_36 : i32
    %sign3A_38 = arith.extui %sign3A_37 : i1 to i32
    %sign3A_39 = arith.subi %sign3A_35, %sign3A_38 : i32
    %sign3A_40 = arith.constant 0 : i32
    %sign3A_41 = arith.cmpi sgt, %jit3A_31, %sign3A_40 : i32
    %sign3A_42 = arith.extui %sign3A_41 : i1 to i32
    %sign3A_43 = arith.constant 0 : i32
    %sign3A_44 = arith.cmpi slt, %jit3A_31, %sign3A_43 : i32
    %sign3A_45 = arith.extui %sign3A_44 : i1 to i32
    %sign3A_46 = arith.subi %sign3A_42, %sign3A_45 : i32
    %ne3A_47 = arith.cmpi ne, %sign3A_39, %sign3A_46 : i32
    %rem3A_48 = arith.remsi %select_n3A, %jit3A_31 : i32
    %ne3A_49 = arith.constant 0 : i32
    %ne3A_50 = arith.cmpi ne, %rem3A_48, %ne3A_49 : i32
    %and3A_51 = arith.andi %ne3A_47, %ne3A_50 : i1
    %sub3A_52 = arith.constant 1 : i32
    %sub3A_53 = arith.subi %div3A_32, %sub3A_52 : i32
    %select_n3A_54 = arith.select %and3A_51, %sub3A_53, %div3A_32 : i32
    %scan3A = arith.constant 0 : i32
    %scan3A_55 = arith.constant 0 : i32
    %scan3A_56 = arith.constant 625 : i32
    %scan3A_57 = arith.addi %scan3A_55, %scan3A_56 : i32
    %scan3A_58 = arith.constant 1 : i32
    %scan3A_59 = scf.for %scan3A_128 = %scan3A_55 to %scan3A_57 step %scan3A_58 iter_args(%scan3A_129 = %scan3A) -> (i32)  : i32 {
      %broadcast_in_dim3A = arith.constant 0.000000e+00 : f32
      %broadcast_in_dim3A_130 = vector.broadcast %broadcast_in_dim3A : f32 to vector<16xf32>
      %mul3A_131 = arith.constant 16 : i32
      %mul3A_132 = arith.muli %scan3A_128, %mul3A_131 : i32
      %swap3A = arith.index_cast %mul3A_132 : i32 to index
      %swap3A_133 = tpu.vector_load %arg7[%swap3A] {strides = array<i32>} : memref<10000xf32, #tpu.memory_space<vmem>>, vector<16xf32>,
      tpu.vector_store %arg7[%swap3A], %broadcast_in_dim3A_130 {strides = array<i32>} : memref<10000xf32, #tpu.memory_space<vmem>>, vector<16xf32>,
      %scan3A_134 = arith.constant 0 : i32
      scf.yield %scan3A_134 : i32
    }
    %scan3A_60 = arith.constant 625 : i32
    %mul3A_61 = arith.constant 160000 : i32
    %mul3A_62 = arith.muli %select_n3A, %mul3A_61 : i32
    %mul3A_63 = arith.constant 40000 : i32
    %mul3A_64 = arith.muli %select_n3A_30, %mul3A_63 : i32
    %add3A_65 = arith.addi %mul3A_62, %mul3A_64 : i32
    "tpu.region"() ({
      %run_scoped3A = tpu.sem_alloc : memref<!tpu.dma_semaphore, #tpu.memory_space<semaphore_mem>>
      %dma_start3A = tpu.memref_slice %arg2[%add3A_65] : memref<1280000xf32, #tpu.memory_space<hbm>> -> memref<40000xf32, #tpu.memory_space<hbm>>
      %dma_start3A_128 = tpu.memref_slice %arg2[%add3A_65] : memref<1280000xf32, #tpu.memory_space<hbm>> -> memref<40000xf32, #tpu.memory_space<hbm>>
      tpu.enqueue_dma source(%dma_start3A_128 : memref<40000xf32, #tpu.memory_space<hbm>>) target(%arg5 : memref<40000xf32, #tpu.memory_space<vmem>>) target_semaphore(%run_scoped3A : memref<!tpu.dma_semaphore, #tpu.memory_space<semaphore_mem>>)
      %dma_wait3A = tpu.memref_slice %arg2[%add3A_65] : memref<1280000xf32, #tpu.memory_space<hbm>> -> memref<40000xf32, #tpu.memory_space<hbm>>
      %dma_wait3A_129 = tpu.memref_slice %arg2[%add3A_65] : memref<1280000xf32, #tpu.memory_space<hbm>> -> memref<40000xf32, #tpu.memory_space<hbm>>
      tpu.wait_dma2 semaphore(%run_scoped3A : memref<!tpu.dma_semaphore, #tpu.memory_space<semaphore_mem>>) src(%dma_wait3A_129 : memref<40000xf32, #tpu.memory_space<hbm>>) dst(%arg5 : memref<40000xf32, #tpu.memory_space<vmem>>)
      tpu.yield
    }) : () -> ()
    %mul3A_66 = arith.constant 160000 : i32
    %mul3A_67 = arith.muli %select_n3A_54, %mul3A_66 : i32
    %mul3A_68 = arith.constant 40000 : i32
    %mul3A_69 = arith.muli %select_n3A_30, %mul3A_68 : i32
    %add3A_70 = arith.addi %mul3A_67, %mul3A_69 : i32
    "tpu.region"() ({
      %run_scoped3A = tpu.sem_alloc : memref<!tpu.dma_semaphore, #tpu.memory_space<semaphore_mem>>
      %dma_start3A = tpu.memref_slice %arg3[%add3A_70] : memref<320000xi32, #tpu.memory_space<hbm>> -> memref<40000xi32, #tpu.memory_space<hbm>>
      %dma_start3A_128 = tpu.memref_slice %arg3[%add3A_70] : memref<320000xi32, #tpu.memory_space<hbm>> -> memref<40000xi32, #tpu.memory_space<hbm>>
      tpu.enqueue_dma source(%dma_start3A_128 : memref<40000xi32, #tpu.memory_space<hbm>>) target(%arg6 : memref<40000xi32, #tpu.memory_space<vmem>>) target_semaphore(%run_scoped3A : memref<!tpu.dma_semaphore, #tpu.memory_space<semaphore_mem>>)
      %dma_wait3A = tpu.memref_slice %arg3[%add3A_70] : memref<320000xi32, #tpu.memory_space<hbm>> -> memref<40000xi32, #tpu.memory_space<hbm>>
      %dma_wait3A_129 = tpu.memref_slice %arg3[%add3A_70] : memref<320000xi32, #tpu.memory_space<hbm>> -> memref<40000xi32, #tpu.memory_space<hbm>>
      tpu.wait_dma2 semaphore(%run_scoped3A : memref<!tpu.dma_semaphore, #tpu.memory_space<semaphore_mem>>) src(%dma_wait3A_129 : memref<40000xi32, #tpu.memory_space<hbm>>) dst(%arg6 : memref<40000xi32, #tpu.memory_space<vmem>>)
      tpu.yield
    }) : () -> ()
    %iota3A = tpu.iota {dimensions = array<i32: 0>} : vector<16xi32>
    %eq3A_71 = arith.constant 0 : i32
    %eq3A_72 = vector.broadcast %eq3A_71 : i32 to vector<16xi32>
    %eq3A_73 = arith.cmpi eq, %iota3A, %eq3A_72 : vector<16xi32>
    %eq3A_74 = arith.constant 1 : i32
    %eq3A_75 = vector.broadcast %eq3A_74 : i32 to vector<16xi32>
    %eq3A_76 = arith.cmpi eq, %iota3A, %eq3A_75 : vector<16xi32>
    %eq3A_77 = arith.constant 2 : i32
    %eq3A_78 = vector.broadcast %eq3A_77 : i32 to vector<16xi32>
    %eq3A_79 = arith.cmpi eq, %iota3A, %eq3A_78 : vector<16xi32>
    %eq3A_80 = arith.constant 3 : i32
    %eq3A_81 = vector.broadcast %eq3A_80 : i32 to vector<16xi32>
    %eq3A_82 = arith.cmpi eq, %iota3A, %eq3A_81 : vector<16xi32>
    %eq3A_83 = arith.constant 4 : i32
    %eq3A_84 = vector.broadcast %eq3A_83 : i32 to vector<16xi32>
    %eq3A_85 = arith.cmpi eq, %iota3A, %eq3A_84 : vector<16xi32>
    %eq3A_86 = arith.constant 5 : i32
    %eq3A_87 = vector.broadcast %eq3A_86 : i32 to vector<16xi32>
    %eq3A_88 = arith.cmpi eq, %iota3A, %eq3A_87 : vector<16xi32>
    %eq3A_89 = arith.constant 6 : i32
    %eq3A_90 = vector.broadcast %eq3A_89 : i32 to vector<16xi32>
    %eq3A_91 = arith.cmpi eq, %iota3A, %eq3A_90 : vector<16xi32>
    %eq3A_92 = arith.constant 7 : i32
    %eq3A_93 = vector.broadcast %eq3A_92 : i32 to vector<16xi32>
    %eq3A_94 = arith.cmpi eq, %iota3A, %eq3A_93 : vector<16xi32>
    %eq3A_95 = arith.constant 8 : i32
    %eq3A_96 = vector.broadcast %eq3A_95 : i32 to vector<16xi32>
    %eq3A_97 = arith.cmpi eq, %iota3A, %eq3A_96 : vector<16xi32>
    %eq3A_98 = arith.constant 9 : i32
    %eq3A_99 = vector.broadcast %eq3A_98 : i32 to vector<16xi32>
    %eq3A_100 = arith.cmpi eq, %iota3A, %eq3A_99 : vector<16xi32>
    %eq3A_101 = arith.constant 10 : i32
    %eq3A_102 = vector.broadcast %eq3A_101 : i32 to vector<16xi32>
    %eq3A_103 = arith.cmpi eq, %iota3A, %eq3A_102 : vector<16xi32>
    %eq3A_104 = arith.constant 11 : i32
    %eq3A_105 = vector.broadcast %eq3A_104 : i32 to vector<16xi32>
    %eq3A_106 = arith.cmpi eq, %iota3A, %eq3A_105 : vector<16xi32>
    %eq3A_107 = arith.constant 12 : i32
    %eq3A_108 = vector.broadcast %eq3A_107 : i32 to vector<16xi32>
    %eq3A_109 = arith.cmpi eq, %iota3A, %eq3A_108 : vector<16xi32>
    %eq3A_110 = arith.constant 13 : i32
    %eq3A_111 = vector.broadcast %eq3A_110 : i32 to vector<16xi32>
    %eq3A_112 = arith.cmpi eq, %iota3A, %eq3A_111 : vector<16xi32>
    %eq3A_113 = arith.constant 14 : i32
    %eq3A_114 = vector.broadcast %eq3A_113 : i32 to vector<16xi32>
    %eq3A_115 = arith.cmpi eq, %iota3A, %eq3A_114 : vector<16xi32>
    %eq3A_116 = arith.constant 15 : i32
    %eq3A_117 = vector.broadcast %eq3A_116 : i32 to vector<16xi32>
    %eq3A_118 = arith.cmpi eq, %iota3A, %eq3A_117 : vector<16xi32>
    %scan3A_119 = arith.constant 0 : i32
    %scan3A_120 = arith.constant 0 : i32
    %scan3A_121 = arith.constant 2500 : i32
    %scan3A_122 = arith.addi %scan3A_120, %scan3A_121 : i32
    %scan3A_123 = arith.constant 1 : i32
    %scan3A_124 = scf.for %scan3A_128 = %scan3A_120 to %scan3A_122 step %scan3A_123 iter_args(%scan3A_129 = %scan3A_119) -> (i32)  : i32 {
      %mul3A_130 = arith.constant 16 : i32
      %mul3A_131 = arith.muli %scan3A_128, %mul3A_130 : i32
      %get3A = arith.index_cast %mul3A_131 : i32 to index
      %get3A_132 = tpu.vector_load %arg5[%get3A] {strides = array<i32>} : memref<40000xf32, #tpu.memory_space<vmem>>, vector<16xf32>,
      %mul3A_133 = arith.constant 16 : i32
      %mul3A_134 = arith.muli %scan3A_128, %mul3A_133 : i32
      %get3A_135 = arith.index_cast %mul3A_134 : i32 to index
      %get3A_136 = tpu.vector_load %arg6[%get3A_135] {strides = array<i32>} : memref<40000xi32, #tpu.memory_space<vmem>>, vector<16xi32>,
      tpu.vector_store_idx %arg7[%get3A_136], %get3A_132 masked %eq3A_73 {add = true} : memref<10000xf32, #tpu.memory_space<vmem>>[vector<16xi32>], vector<16xf32>, vector<16xi1>
      tpu.vector_store_idx %arg7[%get3A_136], %get3A_132 masked %eq3A_76 {add = true} : memref<10000xf32, #tpu.memory_space<vmem>>[vector<16xi32>], vector<16xf32>, vector<16xi1>
      tpu.vector_store_idx %arg7[%get3A_136], %get3A_132 masked %eq3A_79 {add = true} : memref<10000xf32, #tpu.memory_space<vmem>>[vector<16xi32>], vector<16xf32>, vector<16xi1>
      tpu.vector_store_idx %arg7[%get3A_136], %get3A_132 masked %eq3A_82 {add = true} : memref<10000xf32, #tpu.memory_space<vmem>>[vector<16xi32>], vector<16xf32>, vector<16xi1>
      tpu.vector_store_idx %arg7[%get3A_136], %get3A_132 masked %eq3A_85 {add = true} : memref<10000xf32, #tpu.memory_space<vmem>>[vector<16xi32>], vector<16xf32>, vector<16xi1>
      tpu.vector_store_idx %arg7[%get3A_136], %get3A_132 masked %eq3A_88 {add = true} : memref<10000xf32, #tpu.memory_space<vmem>>[vector<16xi32>], vector<16xf32>, vector<16xi1>
      tpu.vector_store_idx %arg7[%get3A_136], %get3A_132 masked %eq3A_91 {add = true} : memref<10000xf32, #tpu.memory_space<vmem>>[vector<16xi32>], vector<16xf32>, vector<16xi1>
      tpu.vector_store_idx %arg7[%get3A_136], %get3A_132 masked %eq3A_94 {add = true} : memref<10000xf32, #tpu.memory_space<vmem>>[vector<16xi32>], vector<16xf32>, vector<16xi1>
      tpu.vector_store_idx %arg7[%get3A_136], %get3A_132 masked %eq3A_97 {add = true} : memref<10000xf32, #tpu.memory_space<vmem>>[vector<16xi32>], vector<16xf32>, vector<16xi1>
      tpu.vector_store_idx %arg7[%get3A_136], %get3A_132 masked %eq3A_100 {add = true} : memref<10000xf32, #tpu.memory_space<vmem>>[vector<16xi32>], vector<16xf32>, vector<16xi1>
      tpu.vector_store_idx %arg7[%get3A_136], %get3A_132 masked %eq3A_103 {add = true} : memref<10000xf32, #tpu.memory_space<vmem>>[vector<16xi32>], vector<16xf32>, vector<16xi1>
      tpu.vector_store_idx %arg7[%get3A_136], %get3A_132 masked %eq3A_106 {add = true} : memref<10000xf32, #tpu.memory_space<vmem>>[vector<16xi32>], vector<16xf32>, vector<16xi1>
      tpu.vector_store_idx %arg7[%get3A_136], %get3A_132 masked %eq3A_109 {add = true} : memref<10000xf32, #tpu.memory_space<vmem>>[vector<16xi32>], vector<16xf32>, vector<16xi1>
      tpu.vector_store_idx %arg7[%get3A_136], %get3A_132 masked %eq3A_112 {add = true} : memref<10000xf32, #tpu.memory_space<vmem>>[vector<16xi32>], vector<16xf32>, vector<16xi1>
      tpu.vector_store_idx %arg7[%get3A_136], %get3A_132 masked %eq3A_115 {add = true} : memref<10000xf32, #tpu.memory_space<vmem>>[vector<16xi32>], vector<16xf32>, vector<16xi1>
      tpu.vector_store_idx %arg7[%get3A_136], %get3A_132 masked %eq3A_118 {add = true} : memref<10000xf32, #tpu.memory_space<vmem>>[vector<16xi32>], vector<16xf32>, vector<16xi1>
      %scan3A_137 = arith.constant 0 : i32
      scf.yield %scan3A_137 : i32
    }
    %scan3A_125 = arith.constant 2500 : i32
    %mul3A_126 = arith.constant 10000 : i32
    %mul3A_127 = arith.muli %add3A, %mul3A_126 : i32
    "tpu.region"() ({
      %run_scoped3A = tpu.sem_alloc : memref<!tpu.dma_semaphore, #tpu.memory_space<semaphore_mem>>
      %dma_start3A = tpu.memref_slice %arg4[%mul3A_127] : memref<320000xf32, #tpu.memory_space<hbm>> -> memref<10000xf32, #tpu.memory_space<hbm>>
      %dma_start3A_128 = tpu.memref_slice %arg4[%mul3A_127] : memref<320000xf32, #tpu.memory_space<hbm>> -> memref<10000xf32, #tpu.memory_space<hbm>>
      tpu.enqueue_dma source(%arg7 : memref<10000xf32, #tpu.memory_space<vmem>>) target(%dma_start3A_128 : memref<10000xf32, #tpu.memory_space<hbm>>) target_semaphore(%run_scoped3A : memref<!tpu.dma_semaphore, #tpu.memory_space<semaphore_mem>>)
      %dma_wait3A = tpu.memref_slice %arg4[%mul3A_127] : memref<320000xf32, #tpu.memory_space<hbm>> -> memref<10000xf32, #tpu.memory_space<hbm>>
      %dma_wait3A_129 = tpu.memref_slice %arg4[%mul3A_127] : memref<320000xf32, #tpu.memory_space<hbm>> -> memref<10000xf32, #tpu.memory_space<hbm>>
      tpu.wait_dma2 semaphore(%run_scoped3A : memref<!tpu.dma_semaphore, #tpu.memory_space<semaphore_mem>>) src(%arg7 : memref<10000xf32, #tpu.memory_space<vmem>>) dst(%dma_wait3A_129 : memref<10000xf32, #tpu.memory_space<hbm>>)
      tpu.yield
    }) : () -> ()
    return
  }
}

module attributes {stable_mosaic.version = 14 : i64} {
  func.func @_local_body(%arg0: i32, %arg1: i32, %arg2: memref<1x128x16x256xf32, #tpu.memory_space<vmem>>, %arg3: memref<1x64x256xf32, #tpu.memory_space<vmem>>, %arg4: memref<256x64xf32, #tpu.memory_space<vmem>>, %arg5: memref<96x128xf32, #tpu.memory_space<vmem>>, %arg6: memref<128x64xf32, #tpu.memory_space<vmem>>, %arg7: memref<1x96x256xf32, #tpu.memory_space<vmem>>, %arg8: memref<1x4x16x256xf32, #tpu.memory_space<vmem>>, %arg9: memref<1x128x256xf32, #tpu.memory_space<vmem>>) attributes {dimension_semantics = [#tpu.dimension_semantics<arbitrary>, #tpu.dimension_semantics<arbitrary>], iteration_bounds = array<i64: 2, 40>, scalar_prefetch = 0 : i64, scratch_operands = 0 : i64, tpu.core_type = #tpu.core_type<tc>, window_params = [{transform_indices = @transform_0, window_bounds = array<i64: 1, 128, 16, 256>}, {transform_indices = @transform_1, window_bounds = array<i64: 1, 64, 256>}, {pipeline_mode = #tpu.pipeline_mode<synchronous>, transform_indices = @transform_2, window_bounds = array<i64: 256, 64>}, {pipeline_mode = #tpu.pipeline_mode<synchronous>, transform_indices = @transform_3, window_bounds = array<i64: 96, 128>}, {pipeline_mode = #tpu.pipeline_mode<synchronous>, transform_indices = @transform_4, window_bounds = array<i64: 128, 64>}, {transform_indices = @transform_5, window_bounds = array<i64: 1, 96, 256>}, {transform_indices = @transform_6, window_bounds = array<i64: 1, 4, 16, 256>}, {transform_indices = @transform_7, window_bounds = array<i64: 1, 128, 256>}]} {
    %get3A = arith.constant 0 : index
    %get3A_0 = arith.constant 0 : index
    %get3A_1 = arith.constant 0 : index
    %get3A_2 = arith.constant 0 : index
    %get3A_3 = vector.load %arg2[%get3A, %get3A_0, %get3A_1, %get3A_2] : memref<1x128x16x256xf32, #tpu.memory_space<vmem>>, vector<1x128x16x256xf32>
    %get3A_4 = vector.shape_cast %get3A_3 : vector<1x128x16x256xf32> to vector<128x16x256xf32>
    %slice3A = vector.extract_strided_slice %get3A_4 {offsets = [0, 0, 0], sizes = [64, 16, 256], strides = [1, 1, 1]} : vector<128x16x256xf32> to vector<64x16x256xf32>
    %slice3A_5 = vector.extract_strided_slice %get3A_4 {offsets = [64, 0, 0], sizes = [64, 16, 256], strides = [1, 1, 1]} : vector<128x16x256xf32> to vector<64x16x256xf32>
    %add3A = arith.addf %slice3A, %slice3A_5 : vector<64x16x256xf32>
    %get3A_6 = arith.constant 0 : index
    %get3A_7 = arith.constant 0 : index
    %get3A_8 = arith.constant 0 : index
    %get3A_9 = vector.load %arg3[%get3A_6, %get3A_7, %get3A_8] : memref<1x64x256xf32, #tpu.memory_space<vmem>>, vector<1x64x256xf32>
    %get3A_10 = vector.shape_cast %get3A_9 : vector<1x64x256xf32> to vector<64x256xf32>
    %get3A_11 = arith.constant 0 : index
    %get3A_12 = arith.constant 0 : index
    %get3A_13 = vector.load %arg4[%get3A_11, %get3A_12] : memref<256x64xf32, #tpu.memory_space<vmem>>, vector<256x64xf32>
    %dot_general3A = arith.constant dense<0.000000e+00> : vector<256x256xf32>
    %dot_general3A_14 = tpu.matmul %get3A_13, %get3A_10, %dot_general3A {dimension_numbers = #tpu.dot_dimension_numbers<[1], [0], [0], [1], [0, 0, 1, 1], [], []>, transpose_lhs_hint = false} : vector<256x64xf32>, vector<64x256xf32>, vector<256x256xf32> -> vector<256x256xf32>
    %get3A_15 = arith.constant 0 : index
    %get3A_16 = arith.constant 0 : index
    %get3A_17 = vector.load %arg6[%get3A_15, %get3A_16] : memref<128x64xf32, #tpu.memory_space<vmem>>, vector<128x64xf32>
    %dot_general3A_18 = arith.constant dense<0.000000e+00> : vector<128x256xf32>
    %dot_general3A_19 = tpu.matmul %get3A_17, %get3A_10, %dot_general3A_18 {dimension_numbers = #tpu.dot_dimension_numbers<[1], [0], [0], [1], [0, 0, 1, 1], [], []>, transpose_lhs_hint = false} : vector<128x64xf32>, vector<64x256xf32>, vector<128x256xf32> -> vector<128x256xf32>
    %swap3A = arith.constant 0 : index
    %swap3A_20 = arith.constant 0 : index
    %swap3A_21 = arith.constant 0 : index
    %swap3A_22 = vector.load %arg9[%swap3A, %swap3A_20, %swap3A_21] : memref<1x128x256xf32, #tpu.memory_space<vmem>>, vector<1x128x256xf32>
    %swap3A_23 = vector.shape_cast %swap3A_22 : vector<1x128x256xf32> to vector<128x256xf32>
    %swap3A_24 = vector.shape_cast %dot_general3A_19 : vector<128x256xf32> to vector<1x128x256xf32>
    tpu.vector_store %arg9[%swap3A, %swap3A_20, %swap3A_21], %swap3A_24 {strides = array<i32>} : memref<1x128x256xf32, #tpu.memory_space<vmem>>, vector<1x128x256xf32>,
    %slice3A_25 = vector.extract_strided_slice %dot_general3A_14 {offsets = [0, 0], sizes = [64, 256], strides = [1, 1]} : vector<256x256xf32> to vector<64x256xf32>
    %broadcast_in_dim3A = vector.shape_cast %slice3A_25 : vector<64x256xf32> to vector<64x1x256xf32>
    %mul3A = vector.broadcast %broadcast_in_dim3A : vector<64x1x256xf32> to vector<64x16x256xf32>
    %mul3A_26 = arith.mulf %add3A, %mul3A : vector<64x16x256xf32>
    %reduce_sum3A = arith.constant dense<0.000000e+00> : vector<16x256xf32>
    %reduce_sum3A_27 = vector.multi_reduction <add>, %mul3A_26, %reduce_sum3A [0] : vector<64x16x256xf32> to vector<16x256xf32>
    %reduce_max3A = arith.constant dense<0xFF800000> : vector<256xf32>
    %reduce_max3A_28 = vector.multi_reduction <maximumf>, %reduce_sum3A_27, %reduce_max3A [0] : vector<16x256xf32> to vector<256xf32>
    %broadcast_in_dim3A_29 = vector.shape_cast %reduce_max3A_28 : vector<256xf32> to vector<1x256xf32>
    %sub3A = vector.broadcast %broadcast_in_dim3A_29 : vector<1x256xf32> to vector<16x256xf32>
    %sub3A_30 = arith.subf %reduce_sum3A_27, %sub3A : vector<16x256xf32>
    %exp3A = math.exp %sub3A_30 : vector<16x256xf32>
    %reduce_sum3A_31 = arith.constant dense<0.000000e+00> : vector<256xf32>
    %reduce_sum3A_32 = vector.multi_reduction <add>, %exp3A, %reduce_sum3A_31 [0] : vector<16x256xf32> to vector<256xf32>
    %broadcast_in_dim3A_33 = vector.shape_cast %reduce_sum3A_32 : vector<256xf32> to vector<1x256xf32>
    %div3A = vector.broadcast %broadcast_in_dim3A_33 : vector<1x256xf32> to vector<16x256xf32>
    %div3A_34 = arith.divf %exp3A, %div3A : vector<16x256xf32>
    %swap3A_35 = arith.constant 0 : index
    %swap3A_36 = arith.constant 0 : index
    %swap3A_37 = arith.constant 0 : index
    %swap3A_38 = arith.constant 0 : index
    %swap3A_39 = vector.load %arg8[%swap3A_35, %swap3A_36, %swap3A_37, %swap3A_38] : memref<1x4x16x256xf32, #tpu.memory_space<vmem>>, vector<1x1x16x256xf32>
    %swap3A_40 = vector.shape_cast %swap3A_39 : vector<1x1x16x256xf32> to vector<16x256xf32>
    %swap3A_41 = vector.shape_cast %div3A_34 : vector<16x256xf32> to vector<1x1x16x256xf32>
    tpu.vector_store %arg8[%swap3A_35, %swap3A_36, %swap3A_37, %swap3A_38], %swap3A_41 {strides = array<i32>} : memref<1x4x16x256xf32, #tpu.memory_space<vmem>>, vector<1x1x16x256xf32>,
    %broadcast_in_dim3A_42 = vector.shape_cast %div3A_34 : vector<16x256xf32> to vector<1x16x256xf32>
    %mul3A_43 = vector.broadcast %broadcast_in_dim3A_42 : vector<1x16x256xf32> to vector<128x16x256xf32>
    %mul3A_44 = arith.mulf %get3A_4, %mul3A_43 : vector<128x16x256xf32>
    %reduce_sum3A_45 = arith.constant dense<0.000000e+00> : vector<128x256xf32>
    %reduce_sum3A_46 = vector.multi_reduction <add>, %mul3A_44, %reduce_sum3A_45 [1] : vector<128x16x256xf32> to vector<128x256xf32>
    %get3A_47 = arith.constant 0 : index
    %get3A_48 = arith.constant 0 : index
    %get3A_49 = vector.load %arg5[%get3A_47, %get3A_48] : memref<96x128xf32, #tpu.memory_space<vmem>>, vector<24x128xf32>
    %dot_general3A_50 = arith.constant dense<0.000000e+00> : vector<24x256xf32>
    %dot_general3A_51 = tpu.matmul %get3A_49, %reduce_sum3A_46, %dot_general3A_50 {dimension_numbers = #tpu.dot_dimension_numbers<[1], [0], [0], [1], [0, 0, 1, 1], [], []>, transpose_lhs_hint = false} : vector<24x128xf32>, vector<128x256xf32>, vector<24x256xf32> -> vector<24x256xf32>
    %swap3A_52 = arith.constant 0 : index
    %swap3A_53 = arith.constant 0 : index
    %swap3A_54 = arith.constant 0 : index
    %swap3A_55 = vector.load %arg7[%swap3A_52, %swap3A_53, %swap3A_54] : memref<1x96x256xf32, #tpu.memory_space<vmem>>, vector<1x24x256xf32>
    %swap3A_56 = vector.shape_cast %swap3A_55 : vector<1x24x256xf32> to vector<24x256xf32>
    %swap3A_57 = vector.shape_cast %dot_general3A_51 : vector<24x256xf32> to vector<1x24x256xf32>
    tpu.vector_store %arg7[%swap3A_52, %swap3A_53, %swap3A_54], %swap3A_57 {strides = array<i32>} : memref<1x96x256xf32, #tpu.memory_space<vmem>>, vector<1x24x256xf32>,
    %slice3A_58 = vector.extract_strided_slice %dot_general3A_14 {offsets = [64, 0], sizes = [64, 256], strides = [1, 1]} : vector<256x256xf32> to vector<64x256xf32>
    %broadcast_in_dim3A_59 = vector.shape_cast %slice3A_58 : vector<64x256xf32> to vector<64x1x256xf32>
    %mul3A_60 = vector.broadcast %broadcast_in_dim3A_59 : vector<64x1x256xf32> to vector<64x16x256xf32>
    %mul3A_61 = arith.mulf %add3A, %mul3A_60 : vector<64x16x256xf32>
    %reduce_sum3A_62 = arith.constant dense<0.000000e+00> : vector<16x256xf32>
    %reduce_sum3A_63 = vector.multi_reduction <add>, %mul3A_61, %reduce_sum3A_62 [0] : vector<64x16x256xf32> to vector<16x256xf32>
    %reduce_max3A_64 = arith.constant dense<0xFF800000> : vector<256xf32>
    %reduce_max3A_65 = vector.multi_reduction <maximumf>, %reduce_sum3A_63, %reduce_max3A_64 [0] : vector<16x256xf32> to vector<256xf32>
    %broadcast_in_dim3A_66 = vector.shape_cast %reduce_max3A_65 : vector<256xf32> to vector<1x256xf32>
    %sub3A_67 = vector.broadcast %broadcast_in_dim3A_66 : vector<1x256xf32> to vector<16x256xf32>
    %sub3A_68 = arith.subf %reduce_sum3A_63, %sub3A_67 : vector<16x256xf32>
    %exp3A_69 = math.exp %sub3A_68 : vector<16x256xf32>
    %reduce_sum3A_70 = arith.constant dense<0.000000e+00> : vector<256xf32>
    %reduce_sum3A_71 = vector.multi_reduction <add>, %exp3A_69, %reduce_sum3A_70 [0] : vector<16x256xf32> to vector<256xf32>
    %broadcast_in_dim3A_72 = vector.shape_cast %reduce_sum3A_71 : vector<256xf32> to vector<1x256xf32>
    %div3A_73 = vector.broadcast %broadcast_in_dim3A_72 : vector<1x256xf32> to vector<16x256xf32>
    %div3A_74 = arith.divf %exp3A_69, %div3A_73 : vector<16x256xf32>
    %swap3A_75 = arith.constant 0 : index
    %swap3A_76 = arith.constant 1 : index
    %swap3A_77 = arith.constant 0 : index
    %swap3A_78 = arith.constant 0 : index
    %swap3A_79 = vector.load %arg8[%swap3A_75, %swap3A_76, %swap3A_77, %swap3A_78] : memref<1x4x16x256xf32, #tpu.memory_space<vmem>>, vector<1x1x16x256xf32>
    %swap3A_80 = vector.shape_cast %swap3A_79 : vector<1x1x16x256xf32> to vector<16x256xf32>
    %swap3A_81 = vector.shape_cast %div3A_74 : vector<16x256xf32> to vector<1x1x16x256xf32>
    tpu.vector_store %arg8[%swap3A_75, %swap3A_76, %swap3A_77, %swap3A_78], %swap3A_81 {strides = array<i32>} : memref<1x4x16x256xf32, #tpu.memory_space<vmem>>, vector<1x1x16x256xf32>,
    %broadcast_in_dim3A_82 = vector.shape_cast %div3A_74 : vector<16x256xf32> to vector<1x16x256xf32>
    %mul3A_83 = vector.broadcast %broadcast_in_dim3A_82 : vector<1x16x256xf32> to vector<128x16x256xf32>
    %mul3A_84 = arith.mulf %get3A_4, %mul3A_83 : vector<128x16x256xf32>
    %reduce_sum3A_85 = arith.constant dense<0.000000e+00> : vector<128x256xf32>
    %reduce_sum3A_86 = vector.multi_reduction <add>, %mul3A_84, %reduce_sum3A_85 [1] : vector<128x16x256xf32> to vector<128x256xf32>
    %get3A_87 = arith.constant 24 : index
    %get3A_88 = arith.constant 0 : index
    %get3A_89 = vector.load %arg5[%get3A_87, %get3A_88] : memref<96x128xf32, #tpu.memory_space<vmem>>, vector<24x128xf32>
    %dot_general3A_90 = arith.constant dense<0.000000e+00> : vector<24x256xf32>
    %dot_general3A_91 = tpu.matmul %get3A_89, %reduce_sum3A_86, %dot_general3A_90 {dimension_numbers = #tpu.dot_dimension_numbers<[1], [0], [0], [1], [0, 0, 1, 1], [], []>, transpose_lhs_hint = false} : vector<24x128xf32>, vector<128x256xf32>, vector<24x256xf32> -> vector<24x256xf32>
    %swap3A_92 = arith.constant 0 : index
    %swap3A_93 = arith.constant 24 : index
    %swap3A_94 = arith.constant 0 : index
    %swap3A_95 = vector.load %arg7[%swap3A_92, %swap3A_93, %swap3A_94] : memref<1x96x256xf32, #tpu.memory_space<vmem>>, vector<1x24x256xf32>
    %swap3A_96 = vector.shape_cast %swap3A_95 : vector<1x24x256xf32> to vector<24x256xf32>
    %swap3A_97 = vector.shape_cast %dot_general3A_91 : vector<24x256xf32> to vector<1x24x256xf32>
    tpu.vector_store %arg7[%swap3A_92, %swap3A_93, %swap3A_94], %swap3A_97 {strides = array<i32>} : memref<1x96x256xf32, #tpu.memory_space<vmem>>, vector<1x24x256xf32>,
    %slice3A_98 = vector.extract_strided_slice %dot_general3A_14 {offsets = [128, 0], sizes = [64, 256], strides = [1, 1]} : vector<256x256xf32> to vector<64x256xf32>
    %broadcast_in_dim3A_99 = vector.shape_cast %slice3A_98 : vector<64x256xf32> to vector<64x1x256xf32>
    %mul3A_100 = vector.broadcast %broadcast_in_dim3A_99 : vector<64x1x256xf32> to vector<64x16x256xf32>
    %mul3A_101 = arith.mulf %add3A, %mul3A_100 : vector<64x16x256xf32>
    %reduce_sum3A_102 = arith.constant dense<0.000000e+00> : vector<16x256xf32>
    %reduce_sum3A_103 = vector.multi_reduction <add>, %mul3A_101, %reduce_sum3A_102 [0] : vector<64x16x256xf32> to vector<16x256xf32>
    %reduce_max3A_104 = arith.constant dense<0xFF800000> : vector<256xf32>
    %reduce_max3A_105 = vector.multi_reduction <maximumf>, %reduce_sum3A_103, %reduce_max3A_104 [0] : vector<16x256xf32> to vector<256xf32>
    %broadcast_in_dim3A_106 = vector.shape_cast %reduce_max3A_105 : vector<256xf32> to vector<1x256xf32>
    %sub3A_107 = vector.broadcast %broadcast_in_dim3A_106 : vector<1x256xf32> to vector<16x256xf32>
    %sub3A_108 = arith.subf %reduce_sum3A_103, %sub3A_107 : vector<16x256xf32>
    %exp3A_109 = math.exp %sub3A_108 : vector<16x256xf32>
    %reduce_sum3A_110 = arith.constant dense<0.000000e+00> : vector<256xf32>
    %reduce_sum3A_111 = vector.multi_reduction <add>, %exp3A_109, %reduce_sum3A_110 [0] : vector<16x256xf32> to vector<256xf32>
    %broadcast_in_dim3A_112 = vector.shape_cast %reduce_sum3A_111 : vector<256xf32> to vector<1x256xf32>
    %div3A_113 = vector.broadcast %broadcast_in_dim3A_112 : vector<1x256xf32> to vector<16x256xf32>
    %div3A_114 = arith.divf %exp3A_109, %div3A_113 : vector<16x256xf32>
    %swap3A_115 = arith.constant 0 : index
    %swap3A_116 = arith.constant 2 : index
    %swap3A_117 = arith.constant 0 : index
    %swap3A_118 = arith.constant 0 : index
    %swap3A_119 = vector.load %arg8[%swap3A_115, %swap3A_116, %swap3A_117, %swap3A_118] : memref<1x4x16x256xf32, #tpu.memory_space<vmem>>, vector<1x1x16x256xf32>
    %swap3A_120 = vector.shape_cast %swap3A_119 : vector<1x1x16x256xf32> to vector<16x256xf32>
    %swap3A_121 = vector.shape_cast %div3A_114 : vector<16x256xf32> to vector<1x1x16x256xf32>
    tpu.vector_store %arg8[%swap3A_115, %swap3A_116, %swap3A_117, %swap3A_118], %swap3A_121 {strides = array<i32>} : memref<1x4x16x256xf32, #tpu.memory_space<vmem>>, vector<1x1x16x256xf32>,
    %broadcast_in_dim3A_122 = vector.shape_cast %div3A_114 : vector<16x256xf32> to vector<1x16x256xf32>
    %mul3A_123 = vector.broadcast %broadcast_in_dim3A_122 : vector<1x16x256xf32> to vector<128x16x256xf32>
    %mul3A_124 = arith.mulf %get3A_4, %mul3A_123 : vector<128x16x256xf32>
    %reduce_sum3A_125 = arith.constant dense<0.000000e+00> : vector<128x256xf32>
    %reduce_sum3A_126 = vector.multi_reduction <add>, %mul3A_124, %reduce_sum3A_125 [1] : vector<128x16x256xf32> to vector<128x256xf32>
    %get3A_127 = arith.constant 48 : index
    %get3A_128 = arith.constant 0 : index
    %get3A_129 = vector.load %arg5[%get3A_127, %get3A_128] : memref<96x128xf32, #tpu.memory_space<vmem>>, vector<24x128xf32>
    %dot_general3A_130 = arith.constant dense<0.000000e+00> : vector<24x256xf32>
    %dot_general3A_131 = tpu.matmul %get3A_129, %reduce_sum3A_126, %dot_general3A_130 {dimension_numbers = #tpu.dot_dimension_numbers<[1], [0], [0], [1], [0, 0, 1, 1], [], []>, transpose_lhs_hint = false} : vector<24x128xf32>, vector<128x256xf32>, vector<24x256xf32> -> vector<24x256xf32>
    %swap3A_132 = arith.constant 0 : index
    %swap3A_133 = arith.constant 48 : index
    %swap3A_134 = arith.constant 0 : index
    %swap3A_135 = vector.load %arg7[%swap3A_132, %swap3A_133, %swap3A_134] : memref<1x96x256xf32, #tpu.memory_space<vmem>>, vector<1x24x256xf32>
    %swap3A_136 = vector.shape_cast %swap3A_135 : vector<1x24x256xf32> to vector<24x256xf32>
    %swap3A_137 = vector.shape_cast %dot_general3A_131 : vector<24x256xf32> to vector<1x24x256xf32>
    tpu.vector_store %arg7[%swap3A_132, %swap3A_133, %swap3A_134], %swap3A_137 {strides = array<i32>} : memref<1x96x256xf32, #tpu.memory_space<vmem>>, vector<1x24x256xf32>,
    %slice3A_138 = vector.extract_strided_slice %dot_general3A_14 {offsets = [192, 0], sizes = [64, 256], strides = [1, 1]} : vector<256x256xf32> to vector<64x256xf32>
    %broadcast_in_dim3A_139 = vector.shape_cast %slice3A_138 : vector<64x256xf32> to vector<64x1x256xf32>
    %mul3A_140 = vector.broadcast %broadcast_in_dim3A_139 : vector<64x1x256xf32> to vector<64x16x256xf32>
    %mul3A_141 = arith.mulf %add3A, %mul3A_140 : vector<64x16x256xf32>
    %reduce_sum3A_142 = arith.constant dense<0.000000e+00> : vector<16x256xf32>
    %reduce_sum3A_143 = vector.multi_reduction <add>, %mul3A_141, %reduce_sum3A_142 [0] : vector<64x16x256xf32> to vector<16x256xf32>
    %reduce_max3A_144 = arith.constant dense<0xFF800000> : vector<256xf32>
    %reduce_max3A_145 = vector.multi_reduction <maximumf>, %reduce_sum3A_143, %reduce_max3A_144 [0] : vector<16x256xf32> to vector<256xf32>
    %broadcast_in_dim3A_146 = vector.shape_cast %reduce_max3A_145 : vector<256xf32> to vector<1x256xf32>
    %sub3A_147 = vector.broadcast %broadcast_in_dim3A_146 : vector<1x256xf32> to vector<16x256xf32>
    %sub3A_148 = arith.subf %reduce_sum3A_143, %sub3A_147 : vector<16x256xf32>
    %exp3A_149 = math.exp %sub3A_148 : vector<16x256xf32>
    %reduce_sum3A_150 = arith.constant dense<0.000000e+00> : vector<256xf32>
    %reduce_sum3A_151 = vector.multi_reduction <add>, %exp3A_149, %reduce_sum3A_150 [0] : vector<16x256xf32> to vector<256xf32>
    %broadcast_in_dim3A_152 = vector.shape_cast %reduce_sum3A_151 : vector<256xf32> to vector<1x256xf32>
    %div3A_153 = vector.broadcast %broadcast_in_dim3A_152 : vector<1x256xf32> to vector<16x256xf32>
    %div3A_154 = arith.divf %exp3A_149, %div3A_153 : vector<16x256xf32>
    %swap3A_155 = arith.constant 0 : index
    %swap3A_156 = arith.constant 3 : index
    %swap3A_157 = arith.constant 0 : index
    %swap3A_158 = arith.constant 0 : index
    %swap3A_159 = vector.load %arg8[%swap3A_155, %swap3A_156, %swap3A_157, %swap3A_158] : memref<1x4x16x256xf32, #tpu.memory_space<vmem>>, vector<1x1x16x256xf32>
    %swap3A_160 = vector.shape_cast %swap3A_159 : vector<1x1x16x256xf32> to vector<16x256xf32>
    %swap3A_161 = vector.shape_cast %div3A_154 : vector<16x256xf32> to vector<1x1x16x256xf32>
    tpu.vector_store %arg8[%swap3A_155, %swap3A_156, %swap3A_157, %swap3A_158], %swap3A_161 {strides = array<i32>} : memref<1x4x16x256xf32, #tpu.memory_space<vmem>>, vector<1x1x16x256xf32>,
    %broadcast_in_dim3A_162 = vector.shape_cast %div3A_154 : vector<16x256xf32> to vector<1x16x256xf32>
    %mul3A_163 = vector.broadcast %broadcast_in_dim3A_162 : vector<1x16x256xf32> to vector<128x16x256xf32>
    %mul3A_164 = arith.mulf %get3A_4, %mul3A_163 : vector<128x16x256xf32>
    %reduce_sum3A_165 = arith.constant dense<0.000000e+00> : vector<128x256xf32>
    %reduce_sum3A_166 = vector.multi_reduction <add>, %mul3A_164, %reduce_sum3A_165 [1] : vector<128x16x256xf32> to vector<128x256xf32>
    %get3A_167 = arith.constant 72 : index
    %get3A_168 = arith.constant 0 : index
    %get3A_169 = vector.load %arg5[%get3A_167, %get3A_168] : memref<96x128xf32, #tpu.memory_space<vmem>>, vector<24x128xf32>
    %dot_general3A_170 = arith.constant dense<0.000000e+00> : vector<24x256xf32>
    %dot_general3A_171 = tpu.matmul %get3A_169, %reduce_sum3A_166, %dot_general3A_170 {dimension_numbers = #tpu.dot_dimension_numbers<[1], [0], [0], [1], [0, 0, 1, 1], [], []>, transpose_lhs_hint = false} : vector<24x128xf32>, vector<128x256xf32>, vector<24x256xf32> -> vector<24x256xf32>
    %swap3A_172 = arith.constant 0 : index
    %swap3A_173 = arith.constant 72 : index
    %swap3A_174 = arith.constant 0 : index
    %swap3A_175 = vector.load %arg7[%swap3A_172, %swap3A_173, %swap3A_174] : memref<1x96x256xf32, #tpu.memory_space<vmem>>, vector<1x24x256xf32>
    %swap3A_176 = vector.shape_cast %swap3A_175 : vector<1x24x256xf32> to vector<24x256xf32>
    %swap3A_177 = vector.shape_cast %dot_general3A_171 : vector<24x256xf32> to vector<1x24x256xf32>
    tpu.vector_store %arg7[%swap3A_172, %swap3A_173, %swap3A_174], %swap3A_177 {strides = array<i32>} : memref<1x96x256xf32, #tpu.memory_space<vmem>>, vector<1x24x256xf32>,
    return
  }
  func.func @transform_0(%arg0: i32, %arg1: i32) -> (i32, i32, i32, i32) {
    %c0_i32 = arith.constant 0 : i32
    %c0_i32_0 = arith.constant 0 : i32
    %c0_i32_1 = arith.constant 0 : i32
    return %arg0, %c0_i32, %c0_i32_0, %arg1 : i32, i32, i32, i32
  }
  func.func @transform_1(%arg0: i32, %arg1: i32) -> (i32, i32, i32) {
    %c0_i32 = arith.constant 0 : i32
    %c0_i32_0 = arith.constant 0 : i32
    return %arg0, %c0_i32, %arg1 : i32, i32, i32
  }
  func.func @transform_2(%arg0: i32, %arg1: i32) -> (i32, i32) {
    %c0_i32 = arith.constant 0 : i32
    %c0_i32_0 = arith.constant 0 : i32
    %c0_i32_1 = arith.constant 0 : i32
    return %c0_i32, %c0_i32_0 : i32, i32
  }
  func.func @transform_3(%arg0: i32, %arg1: i32) -> (i32, i32) {
    %c0_i32 = arith.constant 0 : i32
    %c0_i32_0 = arith.constant 0 : i32
    %c0_i32_1 = arith.constant 0 : i32
    return %c0_i32, %c0_i32_0 : i32, i32
  }
  func.func @transform_4(%arg0: i32, %arg1: i32) -> (i32, i32) {
    %c0_i32 = arith.constant 0 : i32
    %c0_i32_0 = arith.constant 0 : i32
    %c0_i32_1 = arith.constant 0 : i32
    return %c0_i32, %c0_i32_0 : i32, i32
  }
  func.func @transform_5(%arg0: i32, %arg1: i32) -> (i32, i32, i32) {
    %c0_i32 = arith.constant 0 : i32
    %c0_i32_0 = arith.constant 0 : i32
    return %arg0, %c0_i32, %arg1 : i32, i32, i32
  }
  func.func @transform_6(%arg0: i32, %arg1: i32) -> (i32, i32, i32, i32) {
    %c0_i32 = arith.constant 0 : i32
    %c0_i32_0 = arith.constant 0 : i32
    %c0_i32_1 = arith.constant 0 : i32
    return %arg0, %c0_i32, %c0_i32_0, %arg1 : i32, i32, i32, i32
  }
  func.func @transform_7(%arg0: i32, %arg1: i32) -> (i32, i32, i32) {
    %c0_i32 = arith.constant 0 : i32
    %c0_i32_0 = arith.constant 0 : i32
    return %arg0, %c0_i32, %arg1 : i32, i32, i32
  }
}

module attributes {stable_mosaic.version = 14 : i64} {
  func.func @_topk_body(%arg0: i32, %arg1: memref<1x4x4x10000xf32, #tpu.memory_space<vmem>>, %arg2: memref<1x128x10000xf32, #tpu.memory_space<vmem>>, %arg3: memref<1x4x16xf32, #tpu.memory_space<vmem>>, %arg4: memref<1x32x16xf32, #tpu.memory_space<vmem>>, %arg5: memref<1x32x16xf32, #tpu.memory_space<vmem>>) attributes {dimension_semantics = [#tpu.dimension_semantics<arbitrary>], iteration_bounds = array<i64: 2>, scalar_prefetch = 0 : i64, scratch_operands = 0 : i64, tpu.core_type = #tpu.core_type<tc>, window_params = [{transform_indices = @transform_0, window_bounds = array<i64: 1, 4, 4, 10000>}, {transform_indices = @transform_1, window_bounds = array<i64: 1, 128, 10000>}, {transform_indices = @transform_2, window_bounds = array<i64: 1, 4, 16>}, {transform_indices = @transform_3, window_bounds = array<i64: 1, 32, 16>}, {transform_indices = @transform_4, window_bounds = array<i64: 1, 32, 16>}]} {
    %get3A = arith.constant 0 : index
    %get3A_0 = arith.constant 0 : index
    %get3A_1 = arith.constant 0 : index
    %get3A_2 = arith.constant 0 : index
    %get3A_3 = vector.load %arg1[%get3A, %get3A_0, %get3A_1, %get3A_2] : memref<1x4x4x10000xf32, #tpu.memory_space<vmem>>, vector<1x4x4x10000xf32>
    %get3A_4 = vector.shape_cast %get3A_3 : vector<1x4x4x10000xf32> to vector<4x4x10000xf32>
    %reduce_sum3A = arith.constant dense<0.000000e+00> : vector<4x10000xf32>
    %reduce_sum3A_5 = vector.multi_reduction <add>, %get3A_4, %reduce_sum3A [1] : vector<4x4x10000xf32> to vector<4x10000xf32>
    %iota3A = tpu.iota {dimensions = array<i32: 1>} : vector<4x10000xi32>
    %reduce_max3A = arith.constant dense<0xFF800000> : vector<4xf32>
    %reduce_max3A_6 = vector.multi_reduction <maximumf>, %reduce_sum3A_5, %reduce_max3A [1] : vector<4x10000xf32> to vector<4xf32>
    %broadcast_in_dim3A = vector.shape_cast %reduce_max3A_6 : vector<4xf32> to vector<4x1xf32>
    %eq3A = vector.broadcast %broadcast_in_dim3A : vector<4x1xf32> to vector<4x10000xf32>
    %eq3A_7 = arith.cmpf oeq, %reduce_sum3A_5, %eq3A : vector<4x10000xf32>
    %jit3A = arith.constant 10000 : i32
    %broadcast_in_dim3A_8 = vector.broadcast %jit3A : i32 to vector<4x10000xi32>
    %select_n3A = arith.select %eq3A_7, %iota3A, %broadcast_in_dim3A_8 : vector<4x10000xi1>, vector<4x10000xi32>
    %reduce_min3A = arith.constant dense<2147483647> : vector<4xi32>
    %reduce_min3A_9 = vector.multi_reduction <minsi>, %select_n3A, %reduce_min3A [1] : vector<4x10000xi32> to vector<4xi32>
    %broadcast_in_dim3A_10 = vector.shape_cast %reduce_min3A_9 : vector<4xi32> to vector<4x1xi32>
    %eq3A_11 = vector.broadcast %broadcast_in_dim3A_10 : vector<4x1xi32> to vector<4x10000xi32>
    %eq3A_12 = arith.cmpi eq, %iota3A, %eq3A_11 : vector<4x10000xi32>
    %jit3A_13 = arith.constant -1.000000e+00 : f32
    %broadcast_in_dim3A_14 = vector.broadcast %jit3A_13 : f32 to vector<4x10000xf32>
    %select_n3A_15 = arith.select %eq3A_12, %broadcast_in_dim3A_14, %reduce_sum3A_5 : vector<4x10000xi1>, vector<4x10000xf32>
    %reduce_max3A_16 = arith.constant dense<0xFF800000> : vector<4xf32>
    %reduce_max3A_17 = vector.multi_reduction <maximumf>, %select_n3A_15, %reduce_max3A_16 [1] : vector<4x10000xf32> to vector<4xf32>
    %broadcast_in_dim3A_18 = vector.shape_cast %reduce_max3A_17 : vector<4xf32> to vector<4x1xf32>
    %eq3A_19 = vector.broadcast %broadcast_in_dim3A_18 : vector<4x1xf32> to vector<4x10000xf32>
    %eq3A_20 = arith.cmpf oeq, %select_n3A_15, %eq3A_19 : vector<4x10000xf32>
    %jit3A_21 = arith.constant 10000 : i32
    %broadcast_in_dim3A_22 = vector.broadcast %jit3A_21 : i32 to vector<4x10000xi32>
    %select_n3A_23 = arith.select %eq3A_20, %iota3A, %broadcast_in_dim3A_22 : vector<4x10000xi1>, vector<4x10000xi32>
    %reduce_min3A_24 = arith.constant dense<2147483647> : vector<4xi32>
    %reduce_min3A_25 = vector.multi_reduction <minsi>, %select_n3A_23, %reduce_min3A_24 [1] : vector<4x10000xi32> to vector<4xi32>
    %broadcast_in_dim3A_26 = vector.shape_cast %reduce_min3A_25 : vector<4xi32> to vector<4x1xi32>
    %eq3A_27 = vector.broadcast %broadcast_in_dim3A_26 : vector<4x1xi32> to vector<4x10000xi32>
    %eq3A_28 = arith.cmpi eq, %iota3A, %eq3A_27 : vector<4x10000xi32>
    %jit3A_29 = arith.constant -1.000000e+00 : f32
    %broadcast_in_dim3A_30 = vector.broadcast %jit3A_29 : f32 to vector<4x10000xf32>
    %select_n3A_31 = arith.select %eq3A_28, %broadcast_in_dim3A_30, %select_n3A_15 : vector<4x10000xi1>, vector<4x10000xf32>
    %reduce_max3A_32 = arith.constant dense<0xFF800000> : vector<4xf32>
    %reduce_max3A_33 = vector.multi_reduction <maximumf>, %select_n3A_31, %reduce_max3A_32 [1] : vector<4x10000xf32> to vector<4xf32>
    %broadcast_in_dim3A_34 = vector.shape_cast %reduce_max3A_33 : vector<4xf32> to vector<4x1xf32>
    %eq3A_35 = vector.broadcast %broadcast_in_dim3A_34 : vector<4x1xf32> to vector<4x10000xf32>
    %eq3A_36 = arith.cmpf oeq, %select_n3A_31, %eq3A_35 : vector<4x10000xf32>
    %jit3A_37 = arith.constant 10000 : i32
    %broadcast_in_dim3A_38 = vector.broadcast %jit3A_37 : i32 to vector<4x10000xi32>
    %select_n3A_39 = arith.select %eq3A_36, %iota3A, %broadcast_in_dim3A_38 : vector<4x10000xi1>, vector<4x10000xi32>
    %reduce_min3A_40 = arith.constant dense<2147483647> : vector<4xi32>
    %reduce_min3A_41 = vector.multi_reduction <minsi>, %select_n3A_39, %reduce_min3A_40 [1] : vector<4x10000xi32> to vector<4xi32>
    %broadcast_in_dim3A_42 = vector.shape_cast %reduce_min3A_41 : vector<4xi32> to vector<4x1xi32>
    %eq3A_43 = vector.broadcast %broadcast_in_dim3A_42 : vector<4x1xi32> to vector<4x10000xi32>
    %eq3A_44 = arith.cmpi eq, %iota3A, %eq3A_43 : vector<4x10000xi32>
    %jit3A_45 = arith.constant -1.000000e+00 : f32
    %broadcast_in_dim3A_46 = vector.broadcast %jit3A_45 : f32 to vector<4x10000xf32>
    %select_n3A_47 = arith.select %eq3A_44, %broadcast_in_dim3A_46, %select_n3A_31 : vector<4x10000xi1>, vector<4x10000xf32>
    %reduce_max3A_48 = arith.constant dense<0xFF800000> : vector<4xf32>
    %reduce_max3A_49 = vector.multi_reduction <maximumf>, %select_n3A_47, %reduce_max3A_48 [1] : vector<4x10000xf32> to vector<4xf32>
    %broadcast_in_dim3A_50 = vector.shape_cast %reduce_max3A_49 : vector<4xf32> to vector<4x1xf32>
    %eq3A_51 = vector.broadcast %broadcast_in_dim3A_50 : vector<4x1xf32> to vector<4x10000xf32>
    %eq3A_52 = arith.cmpf oeq, %select_n3A_47, %eq3A_51 : vector<4x10000xf32>
    %jit3A_53 = arith.constant 10000 : i32
    %broadcast_in_dim3A_54 = vector.broadcast %jit3A_53 : i32 to vector<4x10000xi32>
    %select_n3A_55 = arith.select %eq3A_52, %iota3A, %broadcast_in_dim3A_54 : vector<4x10000xi1>, vector<4x10000xi32>
    %reduce_min3A_56 = arith.constant dense<2147483647> : vector<4xi32>
    %reduce_min3A_57 = vector.multi_reduction <minsi>, %select_n3A_55, %reduce_min3A_56 [1] : vector<4x10000xi32> to vector<4xi32>
    %broadcast_in_dim3A_58 = vector.shape_cast %reduce_min3A_57 : vector<4xi32> to vector<4x1xi32>
    %eq3A_59 = vector.broadcast %broadcast_in_dim3A_58 : vector<4x1xi32> to vector<4x10000xi32>
    %eq3A_60 = arith.cmpi eq, %iota3A, %eq3A_59 : vector<4x10000xi32>
    %jit3A_61 = arith.constant -1.000000e+00 : f32
    %broadcast_in_dim3A_62 = vector.broadcast %jit3A_61 : f32 to vector<4x10000xf32>
    %select_n3A_63 = arith.select %eq3A_60, %broadcast_in_dim3A_62, %select_n3A_47 : vector<4x10000xi1>, vector<4x10000xf32>
    %reduce_max3A_64 = arith.constant dense<0xFF800000> : vector<4xf32>
    %reduce_max3A_65 = vector.multi_reduction <maximumf>, %select_n3A_63, %reduce_max3A_64 [1] : vector<4x10000xf32> to vector<4xf32>
    %broadcast_in_dim3A_66 = vector.shape_cast %reduce_max3A_65 : vector<4xf32> to vector<4x1xf32>
    %eq3A_67 = vector.broadcast %broadcast_in_dim3A_66 : vector<4x1xf32> to vector<4x10000xf32>
    %eq3A_68 = arith.cmpf oeq, %select_n3A_63, %eq3A_67 : vector<4x10000xf32>
    %jit3A_69 = arith.constant 10000 : i32
    %broadcast_in_dim3A_70 = vector.broadcast %jit3A_69 : i32 to vector<4x10000xi32>
    %select_n3A_71 = arith.select %eq3A_68, %iota3A, %broadcast_in_dim3A_70 : vector<4x10000xi1>, vector<4x10000xi32>
    %reduce_min3A_72 = arith.constant dense<2147483647> : vector<4xi32>
    %reduce_min3A_73 = vector.multi_reduction <minsi>, %select_n3A_71, %reduce_min3A_72 [1] : vector<4x10000xi32> to vector<4xi32>
    %broadcast_in_dim3A_74 = vector.shape_cast %reduce_min3A_73 : vector<4xi32> to vector<4x1xi32>
    %eq3A_75 = vector.broadcast %broadcast_in_dim3A_74 : vector<4x1xi32> to vector<4x10000xi32>
    %eq3A_76 = arith.cmpi eq, %iota3A, %eq3A_75 : vector<4x10000xi32>
    %jit3A_77 = arith.constant -1.000000e+00 : f32
    %broadcast_in_dim3A_78 = vector.broadcast %jit3A_77 : f32 to vector<4x10000xf32>
    %select_n3A_79 = arith.select %eq3A_76, %broadcast_in_dim3A_78, %select_n3A_63 : vector<4x10000xi1>, vector<4x10000xf32>
    %reduce_max3A_80 = arith.constant dense<0xFF800000> : vector<4xf32>
    %reduce_max3A_81 = vector.multi_reduction <maximumf>, %select_n3A_79, %reduce_max3A_80 [1] : vector<4x10000xf32> to vector<4xf32>
    %broadcast_in_dim3A_82 = vector.shape_cast %reduce_max3A_81 : vector<4xf32> to vector<4x1xf32>
    %eq3A_83 = vector.broadcast %broadcast_in_dim3A_82 : vector<4x1xf32> to vector<4x10000xf32>
    %eq3A_84 = arith.cmpf oeq, %select_n3A_79, %eq3A_83 : vector<4x10000xf32>
    %jit3A_85 = arith.constant 10000 : i32
    %broadcast_in_dim3A_86 = vector.broadcast %jit3A_85 : i32 to vector<4x10000xi32>
    %select_n3A_87 = arith.select %eq3A_84, %iota3A, %broadcast_in_dim3A_86 : vector<4x10000xi1>, vector<4x10000xi32>
    %reduce_min3A_88 = arith.constant dense<2147483647> : vector<4xi32>
    %reduce_min3A_89 = vector.multi_reduction <minsi>, %select_n3A_87, %reduce_min3A_88 [1] : vector<4x10000xi32> to vector<4xi32>
    %broadcast_in_dim3A_90 = vector.shape_cast %reduce_min3A_89 : vector<4xi32> to vector<4x1xi32>
    %eq3A_91 = vector.broadcast %broadcast_in_dim3A_90 : vector<4x1xi32> to vector<4x10000xi32>
    %eq3A_92 = arith.cmpi eq, %iota3A, %eq3A_91 : vector<4x10000xi32>
    %jit3A_93 = arith.constant -1.000000e+00 : f32
    %broadcast_in_dim3A_94 = vector.broadcast %jit3A_93 : f32 to vector<4x10000xf32>
    %select_n3A_95 = arith.select %eq3A_92, %broadcast_in_dim3A_94, %select_n3A_79 : vector<4x10000xi1>, vector<4x10000xf32>
    %reduce_max3A_96 = arith.constant dense<0xFF800000> : vector<4xf32>
    %reduce_max3A_97 = vector.multi_reduction <maximumf>, %select_n3A_95, %reduce_max3A_96 [1] : vector<4x10000xf32> to vector<4xf32>
    %broadcast_in_dim3A_98 = vector.shape_cast %reduce_max3A_97 : vector<4xf32> to vector<4x1xf32>
    %eq3A_99 = vector.broadcast %broadcast_in_dim3A_98 : vector<4x1xf32> to vector<4x10000xf32>
    %eq3A_100 = arith.cmpf oeq, %select_n3A_95, %eq3A_99 : vector<4x10000xf32>
    %jit3A_101 = arith.constant 10000 : i32
    %broadcast_in_dim3A_102 = vector.broadcast %jit3A_101 : i32 to vector<4x10000xi32>
    %select_n3A_103 = arith.select %eq3A_100, %iota3A, %broadcast_in_dim3A_102 : vector<4x10000xi1>, vector<4x10000xi32>
    %reduce_min3A_104 = arith.constant dense<2147483647> : vector<4xi32>
    %reduce_min3A_105 = vector.multi_reduction <minsi>, %select_n3A_103, %reduce_min3A_104 [1] : vector<4x10000xi32> to vector<4xi32>
    %broadcast_in_dim3A_106 = vector.shape_cast %reduce_min3A_105 : vector<4xi32> to vector<4x1xi32>
    %eq3A_107 = vector.broadcast %broadcast_in_dim3A_106 : vector<4x1xi32> to vector<4x10000xi32>
    %eq3A_108 = arith.cmpi eq, %iota3A, %eq3A_107 : vector<4x10000xi32>
    %jit3A_109 = arith.constant -1.000000e+00 : f32
    %broadcast_in_dim3A_110 = vector.broadcast %jit3A_109 : f32 to vector<4x10000xf32>
    %select_n3A_111 = arith.select %eq3A_108, %broadcast_in_dim3A_110, %select_n3A_95 : vector<4x10000xi1>, vector<4x10000xf32>
    %reduce_max3A_112 = arith.constant dense<0xFF800000> : vector<4xf32>
    %reduce_max3A_113 = vector.multi_reduction <maximumf>, %select_n3A_111, %reduce_max3A_112 [1] : vector<4x10000xf32> to vector<4xf32>
    %broadcast_in_dim3A_114 = vector.shape_cast %reduce_max3A_113 : vector<4xf32> to vector<4x1xf32>
    %eq3A_115 = vector.broadcast %broadcast_in_dim3A_114 : vector<4x1xf32> to vector<4x10000xf32>
    %eq3A_116 = arith.cmpf oeq, %select_n3A_111, %eq3A_115 : vector<4x10000xf32>
    %jit3A_117 = arith.constant 10000 : i32
    %broadcast_in_dim3A_118 = vector.broadcast %jit3A_117 : i32 to vector<4x10000xi32>
    %select_n3A_119 = arith.select %eq3A_116, %iota3A, %broadcast_in_dim3A_118 : vector<4x10000xi1>, vector<4x10000xi32>
    %reduce_min3A_120 = arith.constant dense<2147483647> : vector<4xi32>
    %reduce_min3A_121 = vector.multi_reduction <minsi>, %select_n3A_119, %reduce_min3A_120 [1] : vector<4x10000xi32> to vector<4xi32>
    %broadcast_in_dim3A_122 = vector.shape_cast %reduce_min3A_121 : vector<4xi32> to vector<4x1xi32>
    %eq3A_123 = vector.broadcast %broadcast_in_dim3A_122 : vector<4x1xi32> to vector<4x10000xi32>
    %eq3A_124 = arith.cmpi eq, %iota3A, %eq3A_123 : vector<4x10000xi32>
    %jit3A_125 = arith.constant -1.000000e+00 : f32
    %broadcast_in_dim3A_126 = vector.broadcast %jit3A_125 : f32 to vector<4x10000xf32>
    %select_n3A_127 = arith.select %eq3A_124, %broadcast_in_dim3A_126, %select_n3A_111 : vector<4x10000xi1>, vector<4x10000xf32>
    %reduce_max3A_128 = arith.constant dense<0xFF800000> : vector<4xf32>
    %reduce_max3A_129 = vector.multi_reduction <maximumf>, %select_n3A_127, %reduce_max3A_128 [1] : vector<4x10000xf32> to vector<4xf32>
    %broadcast_in_dim3A_130 = vector.shape_cast %reduce_max3A_129 : vector<4xf32> to vector<4x1xf32>
    %eq3A_131 = vector.broadcast %broadcast_in_dim3A_130 : vector<4x1xf32> to vector<4x10000xf32>
    %eq3A_132 = arith.cmpf oeq, %select_n3A_127, %eq3A_131 : vector<4x10000xf32>
    %jit3A_133 = arith.constant 10000 : i32
    %broadcast_in_dim3A_134 = vector.broadcast %jit3A_133 : i32 to vector<4x10000xi32>
    %select_n3A_135 = arith.select %eq3A_132, %iota3A, %broadcast_in_dim3A_134 : vector<4x10000xi1>, vector<4x10000xi32>
    %reduce_min3A_136 = arith.constant dense<2147483647> : vector<4xi32>
    %reduce_min3A_137 = vector.multi_reduction <minsi>, %select_n3A_135, %reduce_min3A_136 [1] : vector<4x10000xi32> to vector<4xi32>
    %broadcast_in_dim3A_138 = vector.shape_cast %reduce_min3A_137 : vector<4xi32> to vector<4x1xi32>
    %eq3A_139 = vector.broadcast %broadcast_in_dim3A_138 : vector<4x1xi32> to vector<4x10000xi32>
    %eq3A_140 = arith.cmpi eq, %iota3A, %eq3A_139 : vector<4x10000xi32>
    %jit3A_141 = arith.constant -1.000000e+00 : f32
    %broadcast_in_dim3A_142 = vector.broadcast %jit3A_141 : f32 to vector<4x10000xf32>
    %select_n3A_143 = arith.select %eq3A_140, %broadcast_in_dim3A_142, %select_n3A_127 : vector<4x10000xi1>, vector<4x10000xf32>
    %reduce_max3A_144 = arith.constant dense<0xFF800000> : vector<4xf32>
    %reduce_max3A_145 = vector.multi_reduction <maximumf>, %select_n3A_143, %reduce_max3A_144 [1] : vector<4x10000xf32> to vector<4xf32>
    %broadcast_in_dim3A_146 = vector.shape_cast %reduce_max3A_145 : vector<4xf32> to vector<4x1xf32>
    %eq3A_147 = vector.broadcast %broadcast_in_dim3A_146 : vector<4x1xf32> to vector<4x10000xf32>
    %eq3A_148 = arith.cmpf oeq, %select_n3A_143, %eq3A_147 : vector<4x10000xf32>
    %jit3A_149 = arith.constant 10000 : i32
    %broadcast_in_dim3A_150 = vector.broadcast %jit3A_149 : i32 to vector<4x10000xi32>
    %select_n3A_151 = arith.select %eq3A_148, %iota3A, %broadcast_in_dim3A_150 : vector<4x10000xi1>, vector<4x10000xi32>
    %reduce_min3A_152 = arith.constant dense<2147483647> : vector<4xi32>
    %reduce_min3A_153 = vector.multi_reduction <minsi>, %select_n3A_151, %reduce_min3A_152 [1] : vector<4x10000xi32> to vector<4xi32>
    %broadcast_in_dim3A_154 = vector.shape_cast %reduce_min3A_153 : vector<4xi32> to vector<4x1xi32>
    %eq3A_155 = vector.broadcast %broadcast_in_dim3A_154 : vector<4x1xi32> to vector<4x10000xi32>
    %eq3A_156 = arith.cmpi eq, %iota3A, %eq3A_155 : vector<4x10000xi32>
    %jit3A_157 = arith.constant -1.000000e+00 : f32
    %broadcast_in_dim3A_158 = vector.broadcast %jit3A_157 : f32 to vector<4x10000xf32>
    %select_n3A_159 = arith.select %eq3A_156, %broadcast_in_dim3A_158, %select_n3A_143 : vector<4x10000xi1>, vector<4x10000xf32>
    %reduce_max3A_160 = arith.constant dense<0xFF800000> : vector<4xf32>
    %reduce_max3A_161 = vector.multi_reduction <maximumf>, %select_n3A_159, %reduce_max3A_160 [1] : vector<4x10000xf32> to vector<4xf32>
    %broadcast_in_dim3A_162 = vector.shape_cast %reduce_max3A_161 : vector<4xf32> to vector<4x1xf32>
    %eq3A_163 = vector.broadcast %broadcast_in_dim3A_162 : vector<4x1xf32> to vector<4x10000xf32>
    %eq3A_164 = arith.cmpf oeq, %select_n3A_159, %eq3A_163 : vector<4x10000xf32>
    %jit3A_165 = arith.constant 10000 : i32
    %broadcast_in_dim3A_166 = vector.broadcast %jit3A_165 : i32 to vector<4x10000xi32>
    %select_n3A_167 = arith.select %eq3A_164, %iota3A, %broadcast_in_dim3A_166 : vector<4x10000xi1>, vector<4x10000xi32>
    %reduce_min3A_168 = arith.constant dense<2147483647> : vector<4xi32>
    %reduce_min3A_169 = vector.multi_reduction <minsi>, %select_n3A_167, %reduce_min3A_168 [1] : vector<4x10000xi32> to vector<4xi32>
    %broadcast_in_dim3A_170 = vector.shape_cast %reduce_min3A_169 : vector<4xi32> to vector<4x1xi32>
    %eq3A_171 = vector.broadcast %broadcast_in_dim3A_170 : vector<4x1xi32> to vector<4x10000xi32>
    %eq3A_172 = arith.cmpi eq, %iota3A, %eq3A_171 : vector<4x10000xi32>
    %jit3A_173 = arith.constant -1.000000e+00 : f32
    %broadcast_in_dim3A_174 = vector.broadcast %jit3A_173 : f32 to vector<4x10000xf32>
    %select_n3A_175 = arith.select %eq3A_172, %broadcast_in_dim3A_174, %select_n3A_159 : vector<4x10000xi1>, vector<4x10000xf32>
    %reduce_max3A_176 = arith.constant dense<0xFF800000> : vector<4xf32>
    %reduce_max3A_177 = vector.multi_reduction <maximumf>, %select_n3A_175, %reduce_max3A_176 [1] : vector<4x10000xf32> to vector<4xf32>
    %broadcast_in_dim3A_178 = vector.shape_cast %reduce_max3A_177 : vector<4xf32> to vector<4x1xf32>
    %eq3A_179 = vector.broadcast %broadcast_in_dim3A_178 : vector<4x1xf32> to vector<4x10000xf32>
    %eq3A_180 = arith.cmpf oeq, %select_n3A_175, %eq3A_179 : vector<4x10000xf32>
    %jit3A_181 = arith.constant 10000 : i32
    %broadcast_in_dim3A_182 = vector.broadcast %jit3A_181 : i32 to vector<4x10000xi32>
    %select_n3A_183 = arith.select %eq3A_180, %iota3A, %broadcast_in_dim3A_182 : vector<4x10000xi1>, vector<4x10000xi32>
    %reduce_min3A_184 = arith.constant dense<2147483647> : vector<4xi32>
    %reduce_min3A_185 = vector.multi_reduction <minsi>, %select_n3A_183, %reduce_min3A_184 [1] : vector<4x10000xi32> to vector<4xi32>
    %broadcast_in_dim3A_186 = vector.shape_cast %reduce_min3A_185 : vector<4xi32> to vector<4x1xi32>
    %eq3A_187 = vector.broadcast %broadcast_in_dim3A_186 : vector<4x1xi32> to vector<4x10000xi32>
    %eq3A_188 = arith.cmpi eq, %iota3A, %eq3A_187 : vector<4x10000xi32>
    %jit3A_189 = arith.constant -1.000000e+00 : f32
    %broadcast_in_dim3A_190 = vector.broadcast %jit3A_189 : f32 to vector<4x10000xf32>
    %select_n3A_191 = arith.select %eq3A_188, %broadcast_in_dim3A_190, %select_n3A_175 : vector<4x10000xi1>, vector<4x10000xf32>
    %reduce_max3A_192 = arith.constant dense<0xFF800000> : vector<4xf32>
    %reduce_max3A_193 = vector.multi_reduction <maximumf>, %select_n3A_191, %reduce_max3A_192 [1] : vector<4x10000xf32> to vector<4xf32>
    %broadcast_in_dim3A_194 = vector.shape_cast %reduce_max3A_193 : vector<4xf32> to vector<4x1xf32>
    %eq3A_195 = vector.broadcast %broadcast_in_dim3A_194 : vector<4x1xf32> to vector<4x10000xf32>
    %eq3A_196 = arith.cmpf oeq, %select_n3A_191, %eq3A_195 : vector<4x10000xf32>
    %jit3A_197 = arith.constant 10000 : i32
    %broadcast_in_dim3A_198 = vector.broadcast %jit3A_197 : i32 to vector<4x10000xi32>
    %select_n3A_199 = arith.select %eq3A_196, %iota3A, %broadcast_in_dim3A_198 : vector<4x10000xi1>, vector<4x10000xi32>
    %reduce_min3A_200 = arith.constant dense<2147483647> : vector<4xi32>
    %reduce_min3A_201 = vector.multi_reduction <minsi>, %select_n3A_199, %reduce_min3A_200 [1] : vector<4x10000xi32> to vector<4xi32>
    %broadcast_in_dim3A_202 = vector.shape_cast %reduce_min3A_201 : vector<4xi32> to vector<4x1xi32>
    %eq3A_203 = vector.broadcast %broadcast_in_dim3A_202 : vector<4x1xi32> to vector<4x10000xi32>
    %eq3A_204 = arith.cmpi eq, %iota3A, %eq3A_203 : vector<4x10000xi32>
    %jit3A_205 = arith.constant -1.000000e+00 : f32
    %broadcast_in_dim3A_206 = vector.broadcast %jit3A_205 : f32 to vector<4x10000xf32>
    %select_n3A_207 = arith.select %eq3A_204, %broadcast_in_dim3A_206, %select_n3A_191 : vector<4x10000xi1>, vector<4x10000xf32>
    %reduce_max3A_208 = arith.constant dense<0xFF800000> : vector<4xf32>
    %reduce_max3A_209 = vector.multi_reduction <maximumf>, %select_n3A_207, %reduce_max3A_208 [1] : vector<4x10000xf32> to vector<4xf32>
    %broadcast_in_dim3A_210 = vector.shape_cast %reduce_max3A_209 : vector<4xf32> to vector<4x1xf32>
    %eq3A_211 = vector.broadcast %broadcast_in_dim3A_210 : vector<4x1xf32> to vector<4x10000xf32>
    %eq3A_212 = arith.cmpf oeq, %select_n3A_207, %eq3A_211 : vector<4x10000xf32>
    %jit3A_213 = arith.constant 10000 : i32
    %broadcast_in_dim3A_214 = vector.broadcast %jit3A_213 : i32 to vector<4x10000xi32>
    %select_n3A_215 = arith.select %eq3A_212, %iota3A, %broadcast_in_dim3A_214 : vector<4x10000xi1>, vector<4x10000xi32>
    %reduce_min3A_216 = arith.constant dense<2147483647> : vector<4xi32>
    %reduce_min3A_217 = vector.multi_reduction <minsi>, %select_n3A_215, %reduce_min3A_216 [1] : vector<4x10000xi32> to vector<4xi32>
    %broadcast_in_dim3A_218 = vector.shape_cast %reduce_min3A_217 : vector<4xi32> to vector<4x1xi32>
    %eq3A_219 = vector.broadcast %broadcast_in_dim3A_218 : vector<4x1xi32> to vector<4x10000xi32>
    %eq3A_220 = arith.cmpi eq, %iota3A, %eq3A_219 : vector<4x10000xi32>
    %jit3A_221 = arith.constant -1.000000e+00 : f32
    %broadcast_in_dim3A_222 = vector.broadcast %jit3A_221 : f32 to vector<4x10000xf32>
    %select_n3A_223 = arith.select %eq3A_220, %broadcast_in_dim3A_222, %select_n3A_207 : vector<4x10000xi1>, vector<4x10000xf32>
    %reduce_max3A_224 = arith.constant dense<0xFF800000> : vector<4xf32>
    %reduce_max3A_225 = vector.multi_reduction <maximumf>, %select_n3A_223, %reduce_max3A_224 [1] : vector<4x10000xf32> to vector<4xf32>
    %broadcast_in_dim3A_226 = vector.shape_cast %reduce_max3A_225 : vector<4xf32> to vector<4x1xf32>
    %eq3A_227 = vector.broadcast %broadcast_in_dim3A_226 : vector<4x1xf32> to vector<4x10000xf32>
    %eq3A_228 = arith.cmpf oeq, %select_n3A_223, %eq3A_227 : vector<4x10000xf32>
    %jit3A_229 = arith.constant 10000 : i32
    %broadcast_in_dim3A_230 = vector.broadcast %jit3A_229 : i32 to vector<4x10000xi32>
    %select_n3A_231 = arith.select %eq3A_228, %iota3A, %broadcast_in_dim3A_230 : vector<4x10000xi1>, vector<4x10000xi32>
    %reduce_min3A_232 = arith.constant dense<2147483647> : vector<4xi32>
    %reduce_min3A_233 = vector.multi_reduction <minsi>, %select_n3A_231, %reduce_min3A_232 [1] : vector<4x10000xi32> to vector<4xi32>
    %broadcast_in_dim3A_234 = vector.shape_cast %reduce_min3A_233 : vector<4xi32> to vector<4x1xi32>
    %eq3A_235 = vector.broadcast %broadcast_in_dim3A_234 : vector<4x1xi32> to vector<4x10000xi32>
    %eq3A_236 = arith.cmpi eq, %iota3A, %eq3A_235 : vector<4x10000xi32>
    %jit3A_237 = arith.constant -1.000000e+00 : f32
    %broadcast_in_dim3A_238 = vector.broadcast %jit3A_237 : f32 to vector<4x10000xf32>
    %select_n3A_239 = arith.select %eq3A_236, %broadcast_in_dim3A_238, %select_n3A_223 : vector<4x10000xi1>, vector<4x10000xf32>
    %reduce_max3A_240 = arith.constant dense<0xFF800000> : vector<4xf32>
    %reduce_max3A_241 = vector.multi_reduction <maximumf>, %select_n3A_239, %reduce_max3A_240 [1] : vector<4x10000xf32> to vector<4xf32>
    %broadcast_in_dim3A_242 = vector.shape_cast %reduce_max3A_241 : vector<4xf32> to vector<4x1xf32>
    %eq3A_243 = vector.broadcast %broadcast_in_dim3A_242 : vector<4x1xf32> to vector<4x10000xf32>
    %eq3A_244 = arith.cmpf oeq, %select_n3A_239, %eq3A_243 : vector<4x10000xf32>
    %jit3A_245 = arith.constant 10000 : i32
    %broadcast_in_dim3A_246 = vector.broadcast %jit3A_245 : i32 to vector<4x10000xi32>
    %select_n3A_247 = arith.select %eq3A_244, %iota3A, %broadcast_in_dim3A_246 : vector<4x10000xi1>, vector<4x10000xi32>
    %reduce_min3A_248 = arith.constant dense<2147483647> : vector<4xi32>
    %reduce_min3A_249 = vector.multi_reduction <minsi>, %select_n3A_247, %reduce_min3A_248 [1] : vector<4x10000xi32> to vector<4xi32>
    %broadcast_in_dim3A_250 = vector.shape_cast %reduce_min3A_249 : vector<4xi32> to vector<4x1xi32>
    %concatenate3A = tpu.concatenate %broadcast_in_dim3A, %broadcast_in_dim3A_18, %broadcast_in_dim3A_34, %broadcast_in_dim3A_50, %broadcast_in_dim3A_66, %broadcast_in_dim3A_82, %broadcast_in_dim3A_98, %broadcast_in_dim3A_114, %broadcast_in_dim3A_130, %broadcast_in_dim3A_146, %broadcast_in_dim3A_162, %broadcast_in_dim3A_178, %broadcast_in_dim3A_194, %broadcast_in_dim3A_210, %broadcast_in_dim3A_226, %broadcast_in_dim3A_242 in 1 : vector<4x1xf32>, vector<4x1xf32>, vector<4x1xf32>, vector<4x1xf32>, vector<4x1xf32>, vector<4x1xf32>, vector<4x1xf32>, vector<4x1xf32>, vector<4x1xf32>, vector<4x1xf32>, vector<4x1xf32>, vector<4x1xf32>, vector<4x1xf32>, vector<4x1xf32>, vector<4x1xf32>, vector<4x1xf32> -> vector<4x16xf32>
    %concatenate3A_251 = tpu.concatenate %broadcast_in_dim3A_10, %broadcast_in_dim3A_26, %broadcast_in_dim3A_42, %broadcast_in_dim3A_58, %broadcast_in_dim3A_74, %broadcast_in_dim3A_90, %broadcast_in_dim3A_106, %broadcast_in_dim3A_122, %broadcast_in_dim3A_138, %broadcast_in_dim3A_154, %broadcast_in_dim3A_170, %broadcast_in_dim3A_186, %broadcast_in_dim3A_202, %broadcast_in_dim3A_218, %broadcast_in_dim3A_234, %broadcast_in_dim3A_250 in 1 : vector<4x1xi32>, vector<4x1xi32>, vector<4x1xi32>, vector<4x1xi32>, vector<4x1xi32>, vector<4x1xi32>, vector<4x1xi32>, vector<4x1xi32>, vector<4x1xi32>, vector<4x1xi32>, vector<4x1xi32>, vector<4x1xi32>, vector<4x1xi32>, vector<4x1xi32>, vector<4x1xi32>, vector<4x1xi32> -> vector<4x16xi32>
    %swap3A = arith.constant 0 : index
    %swap3A_252 = arith.constant 0 : index
    %swap3A_253 = arith.constant 0 : index
    %swap3A_254 = vector.load %arg3[%swap3A, %swap3A_252, %swap3A_253] : memref<1x4x16xf32, #tpu.memory_space<vmem>>, vector<1x4x16xf32>
    %swap3A_255 = vector.shape_cast %swap3A_254 : vector<1x4x16xf32> to vector<4x16xf32>
    %swap3A_256 = vector.shape_cast %concatenate3A : vector<4x16xf32> to vector<1x4x16xf32>
    tpu.vector_store %arg3[%swap3A, %swap3A_252, %swap3A_253], %swap3A_256 {strides = array<i32>} : memref<1x4x16xf32, #tpu.memory_space<vmem>>, vector<1x4x16xf32>,
    %get3A_257 = arith.constant 0 : index
    %get3A_258 = arith.constant 0 : index
    %get3A_259 = arith.constant 0 : index
    %get3A_260 = vector.load %arg2[%get3A_257, %get3A_258, %get3A_259] : memref<1x128x10000xf32, #tpu.memory_space<vmem>>, vector<1x128x10000xf32>
    %get3A_261 = vector.shape_cast %get3A_260 : vector<1x128x10000xf32> to vector<128x10000xf32>
    %iota3A_262 = tpu.iota {dimensions = array<i32: 0>} : vector<10000x16xi32>
    %slice3A = vector.extract_strided_slice %concatenate3A_251 {offsets = [0, 0], sizes = [1, 16], strides = [1, 1]} : vector<4x16xi32> to vector<1x16xi32>
    %eq3A_263 = vector.broadcast %slice3A : vector<1x16xi32> to vector<10000x16xi32>
    %eq3A_264 = arith.cmpi eq, %iota3A_262, %eq3A_263 : vector<10000x16xi32>
    %convert_element_type3A = arith.extui %eq3A_264 : vector<10000x16xi1> to vector<10000x16xi32>
    %convert_element_type3A_265 = arith.sitofp %convert_element_type3A : vector<10000x16xi32> to vector<10000x16xf32>
    %slice3A_266 = vector.extract_strided_slice %get3A_261 {offsets = [32, 0], sizes = [8, 10000], strides = [1, 1]} : vector<128x10000xf32> to vector<8x10000xf32>
    %dot_general3A = arith.constant dense<0.000000e+00> : vector<8x16xf32>
    %dot_general3A_267 = tpu.matmul %slice3A_266, %convert_element_type3A_265, %dot_general3A {dimension_numbers = #tpu.dot_dimension_numbers<[1], [0], [0], [1], [0, 0, 1, 1], [], []>, transpose_lhs_hint = false} : vector<8x10000xf32>, vector<10000x16xf32>, vector<8x16xf32> -> vector<8x16xf32>
    %swap3A_268 = arith.constant 0 : index
    %swap3A_269 = arith.constant 0 : index
    %swap3A_270 = arith.constant 0 : index
    %swap3A_271 = vector.load %arg4[%swap3A_268, %swap3A_269, %swap3A_270] : memref<1x32x16xf32, #tpu.memory_space<vmem>>, vector<1x8x16xf32>
    %swap3A_272 = vector.shape_cast %swap3A_271 : vector<1x8x16xf32> to vector<8x16xf32>
    %swap3A_273 = vector.shape_cast %dot_general3A_267 : vector<8x16xf32> to vector<1x8x16xf32>
    tpu.vector_store %arg4[%swap3A_268, %swap3A_269, %swap3A_270], %swap3A_273 {strides = array<i32>} : memref<1x32x16xf32, #tpu.memory_space<vmem>>, vector<1x8x16xf32>,
    %slice3A_274 = vector.extract_strided_slice %get3A_261 {offsets = [96, 0], sizes = [8, 10000], strides = [1, 1]} : vector<128x10000xf32> to vector<8x10000xf32>
    %dot_general3A_275 = arith.constant dense<0.000000e+00> : vector<8x16xf32>
    %dot_general3A_276 = tpu.matmul %slice3A_274, %convert_element_type3A_265, %dot_general3A_275 {dimension_numbers = #tpu.dot_dimension_numbers<[1], [0], [0], [1], [0, 0, 1, 1], [], []>, transpose_lhs_hint = false} : vector<8x10000xf32>, vector<10000x16xf32>, vector<8x16xf32> -> vector<8x16xf32>
    %swap3A_277 = arith.constant 0 : index
    %swap3A_278 = arith.constant 0 : index
    %swap3A_279 = arith.constant 0 : index
    %swap3A_280 = vector.load %arg5[%swap3A_277, %swap3A_278, %swap3A_279] : memref<1x32x16xf32, #tpu.memory_space<vmem>>, vector<1x8x16xf32>
    %swap3A_281 = vector.shape_cast %swap3A_280 : vector<1x8x16xf32> to vector<8x16xf32>
    %swap3A_282 = vector.shape_cast %dot_general3A_276 : vector<8x16xf32> to vector<1x8x16xf32>
    tpu.vector_store %arg5[%swap3A_277, %swap3A_278, %swap3A_279], %swap3A_282 {strides = array<i32>} : memref<1x32x16xf32, #tpu.memory_space<vmem>>, vector<1x8x16xf32>,
    %slice3A_283 = vector.extract_strided_slice %concatenate3A_251 {offsets = [1, 0], sizes = [1, 16], strides = [1, 1]} : vector<4x16xi32> to vector<1x16xi32>
    %eq3A_284 = vector.broadcast %slice3A_283 : vector<1x16xi32> to vector<10000x16xi32>
    %eq3A_285 = arith.cmpi eq, %iota3A_262, %eq3A_284 : vector<10000x16xi32>
    %convert_element_type3A_286 = arith.extui %eq3A_285 : vector<10000x16xi1> to vector<10000x16xi32>
    %convert_element_type3A_287 = arith.sitofp %convert_element_type3A_286 : vector<10000x16xi32> to vector<10000x16xf32>
    %slice3A_288 = vector.extract_strided_slice %get3A_261 {offsets = [40, 0], sizes = [8, 10000], strides = [1, 1]} : vector<128x10000xf32> to vector<8x10000xf32>
    %dot_general3A_289 = arith.constant dense<0.000000e+00> : vector<8x16xf32>
    %dot_general3A_290 = tpu.matmul %slice3A_288, %convert_element_type3A_287, %dot_general3A_289 {dimension_numbers = #tpu.dot_dimension_numbers<[1], [0], [0], [1], [0, 0, 1, 1], [], []>, transpose_lhs_hint = false} : vector<8x10000xf32>, vector<10000x16xf32>, vector<8x16xf32> -> vector<8x16xf32>
    %swap3A_291 = arith.constant 0 : index
    %swap3A_292 = arith.constant 8 : index
    %swap3A_293 = arith.constant 0 : index
    %swap3A_294 = vector.load %arg4[%swap3A_291, %swap3A_292, %swap3A_293] : memref<1x32x16xf32, #tpu.memory_space<vmem>>, vector<1x8x16xf32>
    %swap3A_295 = vector.shape_cast %swap3A_294 : vector<1x8x16xf32> to vector<8x16xf32>
    %swap3A_296 = vector.shape_cast %dot_general3A_290 : vector<8x16xf32> to vector<1x8x16xf32>
    tpu.vector_store %arg4[%swap3A_291, %swap3A_292, %swap3A_293], %swap3A_296 {strides = array<i32>} : memref<1x32x16xf32, #tpu.memory_space<vmem>>, vector<1x8x16xf32>,
    %slice3A_297 = vector.extract_strided_slice %get3A_261 {offsets = [104, 0], sizes = [8, 10000], strides = [1, 1]} : vector<128x10000xf32> to vector<8x10000xf32>
    %dot_general3A_298 = arith.constant dense<0.000000e+00> : vector<8x16xf32>
    %dot_general3A_299 = tpu.matmul %slice3A_297, %convert_element_type3A_287, %dot_general3A_298 {dimension_numbers = #tpu.dot_dimension_numbers<[1], [0], [0], [1], [0, 0, 1, 1], [], []>, transpose_lhs_hint = false} : vector<8x10000xf32>, vector<10000x16xf32>, vector<8x16xf32> -> vector<8x16xf32>
    %swap3A_300 = arith.constant 0 : index
    %swap3A_301 = arith.constant 8 : index
    %swap3A_302 = arith.constant 0 : index
    %swap3A_303 = vector.load %arg5[%swap3A_300, %swap3A_301, %swap3A_302] : memref<1x32x16xf32, #tpu.memory_space<vmem>>, vector<1x8x16xf32>
    %swap3A_304 = vector.shape_cast %swap3A_303 : vector<1x8x16xf32> to vector<8x16xf32>
    %swap3A_305 = vector.shape_cast %dot_general3A_299 : vector<8x16xf32> to vector<1x8x16xf32>
    tpu.vector_store %arg5[%swap3A_300, %swap3A_301, %swap3A_302], %swap3A_305 {strides = array<i32>} : memref<1x32x16xf32, #tpu.memory_space<vmem>>, vector<1x8x16xf32>,
    %slice3A_306 = vector.extract_strided_slice %concatenate3A_251 {offsets = [2, 0], sizes = [1, 16], strides = [1, 1]} : vector<4x16xi32> to vector<1x16xi32>
    %eq3A_307 = vector.broadcast %slice3A_306 : vector<1x16xi32> to vector<10000x16xi32>
    %eq3A_308 = arith.cmpi eq, %iota3A_262, %eq3A_307 : vector<10000x16xi32>
    %convert_element_type3A_309 = arith.extui %eq3A_308 : vector<10000x16xi1> to vector<10000x16xi32>
    %convert_element_type3A_310 = arith.sitofp %convert_element_type3A_309 : vector<10000x16xi32> to vector<10000x16xf32>
    %slice3A_311 = vector.extract_strided_slice %get3A_261 {offsets = [48, 0], sizes = [8, 10000], strides = [1, 1]} : vector<128x10000xf32> to vector<8x10000xf32>
    %dot_general3A_312 = arith.constant dense<0.000000e+00> : vector<8x16xf32>
    %dot_general3A_313 = tpu.matmul %slice3A_311, %convert_element_type3A_310, %dot_general3A_312 {dimension_numbers = #tpu.dot_dimension_numbers<[1], [0], [0], [1], [0, 0, 1, 1], [], []>, transpose_lhs_hint = false} : vector<8x10000xf32>, vector<10000x16xf32>, vector<8x16xf32> -> vector<8x16xf32>
    %swap3A_314 = arith.constant 0 : index
    %swap3A_315 = arith.constant 16 : index
    %swap3A_316 = arith.constant 0 : index
    %swap3A_317 = vector.load %arg4[%swap3A_314, %swap3A_315, %swap3A_316] : memref<1x32x16xf32, #tpu.memory_space<vmem>>, vector<1x8x16xf32>
    %swap3A_318 = vector.shape_cast %swap3A_317 : vector<1x8x16xf32> to vector<8x16xf32>
    %swap3A_319 = vector.shape_cast %dot_general3A_313 : vector<8x16xf32> to vector<1x8x16xf32>
    tpu.vector_store %arg4[%swap3A_314, %swap3A_315, %swap3A_316], %swap3A_319 {strides = array<i32>} : memref<1x32x16xf32, #tpu.memory_space<vmem>>, vector<1x8x16xf32>,
    %slice3A_320 = vector.extract_strided_slice %get3A_261 {offsets = [112, 0], sizes = [8, 10000], strides = [1, 1]} : vector<128x10000xf32> to vector<8x10000xf32>
    %dot_general3A_321 = arith.constant dense<0.000000e+00> : vector<8x16xf32>
    %dot_general3A_322 = tpu.matmul %slice3A_320, %convert_element_type3A_310, %dot_general3A_321 {dimension_numbers = #tpu.dot_dimension_numbers<[1], [0], [0], [1], [0, 0, 1, 1], [], []>, transpose_lhs_hint = false} : vector<8x10000xf32>, vector<10000x16xf32>, vector<8x16xf32> -> vector<8x16xf32>
    %swap3A_323 = arith.constant 0 : index
    %swap3A_324 = arith.constant 16 : index
    %swap3A_325 = arith.constant 0 : index
    %swap3A_326 = vector.load %arg5[%swap3A_323, %swap3A_324, %swap3A_325] : memref<1x32x16xf32, #tpu.memory_space<vmem>>, vector<1x8x16xf32>
    %swap3A_327 = vector.shape_cast %swap3A_326 : vector<1x8x16xf32> to vector<8x16xf32>
    %swap3A_328 = vector.shape_cast %dot_general3A_322 : vector<8x16xf32> to vector<1x8x16xf32>
    tpu.vector_store %arg5[%swap3A_323, %swap3A_324, %swap3A_325], %swap3A_328 {strides = array<i32>} : memref<1x32x16xf32, #tpu.memory_space<vmem>>, vector<1x8x16xf32>,
    %slice3A_329 = vector.extract_strided_slice %concatenate3A_251 {offsets = [3, 0], sizes = [1, 16], strides = [1, 1]} : vector<4x16xi32> to vector<1x16xi32>
    %eq3A_330 = vector.broadcast %slice3A_329 : vector<1x16xi32> to vector<10000x16xi32>
    %eq3A_331 = arith.cmpi eq, %iota3A_262, %eq3A_330 : vector<10000x16xi32>
    %convert_element_type3A_332 = arith.extui %eq3A_331 : vector<10000x16xi1> to vector<10000x16xi32>
    %convert_element_type3A_333 = arith.sitofp %convert_element_type3A_332 : vector<10000x16xi32> to vector<10000x16xf32>
    %slice3A_334 = vector.extract_strided_slice %get3A_261 {offsets = [56, 0], sizes = [8, 10000], strides = [1, 1]} : vector<128x10000xf32> to vector<8x10000xf32>
    %dot_general3A_335 = arith.constant dense<0.000000e+00> : vector<8x16xf32>
    %dot_general3A_336 = tpu.matmul %slice3A_334, %convert_element_type3A_333, %dot_general3A_335 {dimension_numbers = #tpu.dot_dimension_numbers<[1], [0], [0], [1], [0, 0, 1, 1], [], []>, transpose_lhs_hint = false} : vector<8x10000xf32>, vector<10000x16xf32>, vector<8x16xf32> -> vector<8x16xf32>
    %swap3A_337 = arith.constant 0 : index
    %swap3A_338 = arith.constant 24 : index
    %swap3A_339 = arith.constant 0 : index
    %swap3A_340 = vector.load %arg4[%swap3A_337, %swap3A_338, %swap3A_339] : memref<1x32x16xf32, #tpu.memory_space<vmem>>, vector<1x8x16xf32>
    %swap3A_341 = vector.shape_cast %swap3A_340 : vector<1x8x16xf32> to vector<8x16xf32>
    %swap3A_342 = vector.shape_cast %dot_general3A_336 : vector<8x16xf32> to vector<1x8x16xf32>
    tpu.vector_store %arg4[%swap3A_337, %swap3A_338, %swap3A_339], %swap3A_342 {strides = array<i32>} : memref<1x32x16xf32, #tpu.memory_space<vmem>>, vector<1x8x16xf32>,
    %slice3A_343 = vector.extract_strided_slice %get3A_261 {offsets = [120, 0], sizes = [8, 10000], strides = [1, 1]} : vector<128x10000xf32> to vector<8x10000xf32>
    %dot_general3A_344 = arith.constant dense<0.000000e+00> : vector<8x16xf32>
    %dot_general3A_345 = tpu.matmul %slice3A_343, %convert_element_type3A_333, %dot_general3A_344 {dimension_numbers = #tpu.dot_dimension_numbers<[1], [0], [0], [1], [0, 0, 1, 1], [], []>, transpose_lhs_hint = false} : vector<8x10000xf32>, vector<10000x16xf32>, vector<8x16xf32> -> vector<8x16xf32>
    %swap3A_346 = arith.constant 0 : index
    %swap3A_347 = arith.constant 24 : index
    %swap3A_348 = arith.constant 0 : index
    %swap3A_349 = vector.load %arg5[%swap3A_346, %swap3A_347, %swap3A_348] : memref<1x32x16xf32, #tpu.memory_space<vmem>>, vector<1x8x16xf32>
    %swap3A_350 = vector.shape_cast %swap3A_349 : vector<1x8x16xf32> to vector<8x16xf32>
    %swap3A_351 = vector.shape_cast %dot_general3A_345 : vector<8x16xf32> to vector<1x8x16xf32>
    tpu.vector_store %arg5[%swap3A_346, %swap3A_347, %swap3A_348], %swap3A_351 {strides = array<i32>} : memref<1x32x16xf32, #tpu.memory_space<vmem>>, vector<1x8x16xf32>,
    return
  }
  func.func @transform_0(%arg0: i32) -> (i32, i32, i32, i32) {
    %c0_i32 = arith.constant 0 : i32
    %c0_i32_0 = arith.constant 0 : i32
    %c0_i32_1 = arith.constant 0 : i32
    %c0_i32_2 = arith.constant 0 : i32
    return %arg0, %c0_i32, %c0_i32_0, %c0_i32_1 : i32, i32, i32, i32
  }
  func.func @transform_1(%arg0: i32) -> (i32, i32, i32) {
    %c0_i32 = arith.constant 0 : i32
    %c0_i32_0 = arith.constant 0 : i32
    %c0_i32_1 = arith.constant 0 : i32
    return %arg0, %c0_i32, %c0_i32_0 : i32, i32, i32
  }
  func.func @transform_2(%arg0: i32) -> (i32, i32, i32) {
    %c0_i32 = arith.constant 0 : i32
    %c0_i32_0 = arith.constant 0 : i32
    %c0_i32_1 = arith.constant 0 : i32
    return %arg0, %c0_i32, %c0_i32_0 : i32, i32, i32
  }
  func.func @transform_3(%arg0: i32) -> (i32, i32, i32) {
    %c0_i32 = arith.constant 0 : i32
    %c0_i32_0 = arith.constant 0 : i32
    %c0_i32_1 = arith.constant 0 : i32
    return %arg0, %c0_i32, %c0_i32_0 : i32, i32, i32
  }
  func.func @transform_4(%arg0: i32) -> (i32, i32, i32) {
    %c0_i32 = arith.constant 0 : i32
    %c0_i32_0 = arith.constant 0 : i32
    %c0_i32_1 = arith.constant 0 : i32
    return %arg0, %c0_i32, %c0_i32_0 : i32, i32, i32
  }
}

module attributes {stable_mosaic.version = 14 : i64} {
  func.func @_nl_body(%arg0: i32, %arg1: i32, %arg2: memref<1x128x256xf32, #tpu.memory_space<vmem>>, %arg3: memref<1x4x16xf32, #tpu.memory_space<vmem>>, %arg4: memref<1x32x16xf32, #tpu.memory_space<vmem>>, %arg5: memref<1x32x16xf32, #tpu.memory_space<vmem>>, %arg6: memref<1x32x256xf32, #tpu.memory_space<vmem>>) attributes {dimension_semantics = [#tpu.dimension_semantics<arbitrary>, #tpu.dimension_semantics<arbitrary>], iteration_bounds = array<i64: 2, 40>, scalar_prefetch = 0 : i64, scratch_operands = 0 : i64, tpu.core_type = #tpu.core_type<tc>, window_params = [{transform_indices = @transform_0, window_bounds = array<i64: 1, 128, 256>}, {transform_indices = @transform_1, window_bounds = array<i64: 1, 4, 16>}, {transform_indices = @transform_2, window_bounds = array<i64: 1, 32, 16>}, {transform_indices = @transform_3, window_bounds = array<i64: 1, 32, 16>}, {transform_indices = @transform_4, window_bounds = array<i64: 1, 32, 256>}]} {
    %get3A = arith.constant 0 : index
    %get3A_0 = arith.constant 0 : index
    %get3A_1 = arith.constant 0 : index
    %get3A_2 = vector.load %arg2[%get3A, %get3A_0, %get3A_1] : memref<1x128x256xf32, #tpu.memory_space<vmem>>, vector<1x128x256xf32>
    %get3A_3 = vector.shape_cast %get3A_2 : vector<1x128x256xf32> to vector<128x256xf32>
    %slice3A = vector.extract_strided_slice %get3A_3 {offsets = [0, 0], sizes = [8, 256], strides = [1, 1]} : vector<128x256xf32> to vector<8x256xf32>
    %slice3A_4 = vector.extract_strided_slice %get3A_3 {offsets = [64, 0], sizes = [8, 256], strides = [1, 1]} : vector<128x256xf32> to vector<8x256xf32>
    %slice3A_5 = vector.extract_strided_slice %get3A_3 {offsets = [96, 0], sizes = [8, 256], strides = [1, 1]} : vector<128x256xf32> to vector<8x256xf32>
    %get3A_6 = arith.constant 0 : index
    %get3A_7 = arith.constant 0 : index
    %get3A_8 = arith.constant 0 : index
    %get3A_9 = vector.load %arg4[%get3A_6, %get3A_7, %get3A_8] : memref<1x32x16xf32, #tpu.memory_space<vmem>>, vector<1x8x16xf32>
    %get3A_10 = vector.shape_cast %get3A_9 : vector<1x8x16xf32> to vector<8x16xf32>
    %dot_general3A = arith.constant dense<0.000000e+00> : vector<16x256xf32>
    %dot_general3A_11 = tpu.matmul %get3A_10, %slice3A, %dot_general3A {dimension_numbers = #tpu.dot_dimension_numbers<[0], [0], [1], [1], [0, 1, 1, 1], [], []>, transpose_lhs_hint = false} : vector<8x16xf32>, vector<8x256xf32>, vector<16x256xf32> -> vector<16x256xf32>
    %reduce_max3A = arith.constant dense<0xFF800000> : vector<256xf32>
    %reduce_max3A_12 = vector.multi_reduction <maximumf>, %dot_general3A_11, %reduce_max3A [0] : vector<16x256xf32> to vector<256xf32>
    %broadcast_in_dim3A = vector.shape_cast %reduce_max3A_12 : vector<256xf32> to vector<1x256xf32>
    %sub3A = vector.broadcast %broadcast_in_dim3A : vector<1x256xf32> to vector<16x256xf32>
    %sub3A_13 = arith.subf %dot_general3A_11, %sub3A : vector<16x256xf32>
    %exp3A = math.exp %sub3A_13 : vector<16x256xf32>
    %reduce_sum3A = arith.constant dense<0.000000e+00> : vector<256xf32>
    %reduce_sum3A_14 = vector.multi_reduction <add>, %exp3A, %reduce_sum3A [0] : vector<16x256xf32> to vector<256xf32>
    %broadcast_in_dim3A_15 = vector.shape_cast %reduce_sum3A_14 : vector<256xf32> to vector<1x256xf32>
    %div3A = vector.broadcast %broadcast_in_dim3A_15 : vector<1x256xf32> to vector<16x256xf32>
    %div3A_16 = arith.divf %exp3A, %div3A : vector<16x256xf32>
    %get3A_17 = arith.constant 0 : index
    %get3A_18 = arith.constant 0 : index
    %get3A_19 = arith.constant 0 : index
    %get3A_20 = vector.load %arg3[%get3A_17, %get3A_18, %get3A_19] : memref<1x4x16xf32, #tpu.memory_space<vmem>>, vector<1x1x16xf32>
    %get3A_21 = vector.shape_cast %get3A_20 : vector<1x1x16xf32> to vector<1x16xf32>
    %get3A_22 = arith.constant 0 : index
    %get3A_23 = arith.constant 0 : index
    %get3A_24 = arith.constant 0 : index
    %get3A_25 = vector.load %arg5[%get3A_22, %get3A_23, %get3A_24] : memref<1x32x16xf32, #tpu.memory_space<vmem>>, vector<1x8x16xf32>
    %get3A_26 = vector.shape_cast %get3A_25 : vector<1x8x16xf32> to vector<8x16xf32>
    %mul3A = vector.broadcast %get3A_21 : vector<1x16xf32> to vector<8x16xf32>
    %mul3A_27 = arith.mulf %get3A_26, %mul3A : vector<8x16xf32>
    %concatenate3A = tpu.concatenate %mul3A_27, %get3A_21 in 0 : vector<8x16xf32>, vector<1x16xf32> -> vector<9x16xf32>
    %dot_general3A_28 = arith.constant dense<0.000000e+00> : vector<9x256xf32>
    %dot_general3A_29 = tpu.matmul %concatenate3A, %div3A_16, %dot_general3A_28 {dimension_numbers = #tpu.dot_dimension_numbers<[1], [0], [0], [1], [0, 0, 1, 1], [], []>, transpose_lhs_hint = false} : vector<9x16xf32>, vector<16x256xf32>, vector<9x256xf32> -> vector<9x256xf32>
    %slice3A_30 = vector.extract_strided_slice %dot_general3A_29 {offsets = [0, 0], sizes = [8, 256], strides = [1, 1]} : vector<9x256xf32> to vector<8x256xf32>
    %add3A = arith.addf %slice3A_4, %slice3A_30 : vector<8x256xf32>
    %slice3A_31 = vector.extract_strided_slice %dot_general3A_29 {offsets = [8, 0], sizes = [1, 256], strides = [1, 1]} : vector<9x256xf32> to vector<1x256xf32>
    %mul3A_32 = vector.broadcast %slice3A_31 : vector<1x256xf32> to vector<8x256xf32>
    %mul3A_33 = arith.mulf %slice3A_5, %mul3A_32 : vector<8x256xf32>
    %sub3A_34 = arith.subf %add3A, %mul3A_33 : vector<8x256xf32>
    %swap3A = arith.constant 0 : index
    %swap3A_35 = arith.constant 0 : index
    %swap3A_36 = arith.constant 0 : index
    %swap3A_37 = vector.load %arg6[%swap3A, %swap3A_35, %swap3A_36] : memref<1x32x256xf32, #tpu.memory_space<vmem>>, vector<1x8x256xf32>
    %swap3A_38 = vector.shape_cast %swap3A_37 : vector<1x8x256xf32> to vector<8x256xf32>
    %swap3A_39 = vector.shape_cast %sub3A_34 : vector<8x256xf32> to vector<1x8x256xf32>
    tpu.vector_store %arg6[%swap3A, %swap3A_35, %swap3A_36], %swap3A_39 {strides = array<i32>} : memref<1x32x256xf32, #tpu.memory_space<vmem>>, vector<1x8x256xf32>,
    %slice3A_40 = vector.extract_strided_slice %get3A_3 {offsets = [8, 0], sizes = [8, 256], strides = [1, 1]} : vector<128x256xf32> to vector<8x256xf32>
    %slice3A_41 = vector.extract_strided_slice %get3A_3 {offsets = [72, 0], sizes = [8, 256], strides = [1, 1]} : vector<128x256xf32> to vector<8x256xf32>
    %slice3A_42 = vector.extract_strided_slice %get3A_3 {offsets = [104, 0], sizes = [8, 256], strides = [1, 1]} : vector<128x256xf32> to vector<8x256xf32>
    %get3A_43 = arith.constant 0 : index
    %get3A_44 = arith.constant 8 : index
    %get3A_45 = arith.constant 0 : index
    %get3A_46 = vector.load %arg4[%get3A_43, %get3A_44, %get3A_45] : memref<1x32x16xf32, #tpu.memory_space<vmem>>, vector<1x8x16xf32>
    %get3A_47 = vector.shape_cast %get3A_46 : vector<1x8x16xf32> to vector<8x16xf32>
    %dot_general3A_48 = arith.constant dense<0.000000e+00> : vector<16x256xf32>
    %dot_general3A_49 = tpu.matmul %get3A_47, %slice3A_40, %dot_general3A_48 {dimension_numbers = #tpu.dot_dimension_numbers<[0], [0], [1], [1], [0, 1, 1, 1], [], []>, transpose_lhs_hint = false} : vector<8x16xf32>, vector<8x256xf32>, vector<16x256xf32> -> vector<16x256xf32>
    %reduce_max3A_50 = arith.constant dense<0xFF800000> : vector<256xf32>
    %reduce_max3A_51 = vector.multi_reduction <maximumf>, %dot_general3A_49, %reduce_max3A_50 [0] : vector<16x256xf32> to vector<256xf32>
    %broadcast_in_dim3A_52 = vector.shape_cast %reduce_max3A_51 : vector<256xf32> to vector<1x256xf32>
    %sub3A_53 = vector.broadcast %broadcast_in_dim3A_52 : vector<1x256xf32> to vector<16x256xf32>
    %sub3A_54 = arith.subf %dot_general3A_49, %sub3A_53 : vector<16x256xf32>
    %exp3A_55 = math.exp %sub3A_54 : vector<16x256xf32>
    %reduce_sum3A_56 = arith.constant dense<0.000000e+00> : vector<256xf32>
    %reduce_sum3A_57 = vector.multi_reduction <add>, %exp3A_55, %reduce_sum3A_56 [0] : vector<16x256xf32> to vector<256xf32>
    %broadcast_in_dim3A_58 = vector.shape_cast %reduce_sum3A_57 : vector<256xf32> to vector<1x256xf32>
    %div3A_59 = vector.broadcast %broadcast_in_dim3A_58 : vector<1x256xf32> to vector<16x256xf32>
    %div3A_60 = arith.divf %exp3A_55, %div3A_59 : vector<16x256xf32>
    %get3A_61 = arith.constant 0 : index
    %get3A_62 = arith.constant 1 : index
    %get3A_63 = arith.constant 0 : index
    %get3A_64 = vector.load %arg3[%get3A_61, %get3A_62, %get3A_63] : memref<1x4x16xf32, #tpu.memory_space<vmem>>, vector<1x1x16xf32>
    %get3A_65 = vector.shape_cast %get3A_64 : vector<1x1x16xf32> to vector<1x16xf32>
    %get3A_66 = arith.constant 0 : index
    %get3A_67 = arith.constant 8 : index
    %get3A_68 = arith.constant 0 : index
    %get3A_69 = vector.load %arg5[%get3A_66, %get3A_67, %get3A_68] : memref<1x32x16xf32, #tpu.memory_space<vmem>>, vector<1x8x16xf32>
    %get3A_70 = vector.shape_cast %get3A_69 : vector<1x8x16xf32> to vector<8x16xf32>
    %mul3A_71 = vector.broadcast %get3A_65 : vector<1x16xf32> to vector<8x16xf32>
    %mul3A_72 = arith.mulf %get3A_70, %mul3A_71 : vector<8x16xf32>
    %concatenate3A_73 = tpu.concatenate %mul3A_72, %get3A_65 in 0 : vector<8x16xf32>, vector<1x16xf32> -> vector<9x16xf32>
    %dot_general3A_74 = arith.constant dense<0.000000e+00> : vector<9x256xf32>
    %dot_general3A_75 = tpu.matmul %concatenate3A_73, %div3A_60, %dot_general3A_74 {dimension_numbers = #tpu.dot_dimension_numbers<[1], [0], [0], [1], [0, 0, 1, 1], [], []>, transpose_lhs_hint = false} : vector<9x16xf32>, vector<16x256xf32>, vector<9x256xf32> -> vector<9x256xf32>
    %slice3A_76 = vector.extract_strided_slice %dot_general3A_75 {offsets = [0, 0], sizes = [8, 256], strides = [1, 1]} : vector<9x256xf32> to vector<8x256xf32>
    %add3A_77 = arith.addf %slice3A_41, %slice3A_76 : vector<8x256xf32>
    %slice3A_78 = vector.extract_strided_slice %dot_general3A_75 {offsets = [8, 0], sizes = [1, 256], strides = [1, 1]} : vector<9x256xf32> to vector<1x256xf32>
    %mul3A_79 = vector.broadcast %slice3A_78 : vector<1x256xf32> to vector<8x256xf32>
    %mul3A_80 = arith.mulf %slice3A_42, %mul3A_79 : vector<8x256xf32>
    %sub3A_81 = arith.subf %add3A_77, %mul3A_80 : vector<8x256xf32>
    %swap3A_82 = arith.constant 0 : index
    %swap3A_83 = arith.constant 8 : index
    %swap3A_84 = arith.constant 0 : index
    %swap3A_85 = vector.load %arg6[%swap3A_82, %swap3A_83, %swap3A_84] : memref<1x32x256xf32, #tpu.memory_space<vmem>>, vector<1x8x256xf32>
    %swap3A_86 = vector.shape_cast %swap3A_85 : vector<1x8x256xf32> to vector<8x256xf32>
    %swap3A_87 = vector.shape_cast %sub3A_81 : vector<8x256xf32> to vector<1x8x256xf32>
    tpu.vector_store %arg6[%swap3A_82, %swap3A_83, %swap3A_84], %swap3A_87 {strides = array<i32>} : memref<1x32x256xf32, #tpu.memory_space<vmem>>, vector<1x8x256xf32>,
    %slice3A_88 = vector.extract_strided_slice %get3A_3 {offsets = [16, 0], sizes = [8, 256], strides = [1, 1]} : vector<128x256xf32> to vector<8x256xf32>
    %slice3A_89 = vector.extract_strided_slice %get3A_3 {offsets = [80, 0], sizes = [8, 256], strides = [1, 1]} : vector<128x256xf32> to vector<8x256xf32>
    %slice3A_90 = vector.extract_strided_slice %get3A_3 {offsets = [112, 0], sizes = [8, 256], strides = [1, 1]} : vector<128x256xf32> to vector<8x256xf32>
    %get3A_91 = arith.constant 0 : index
    %get3A_92 = arith.constant 16 : index
    %get3A_93 = arith.constant 0 : index
    %get3A_94 = vector.load %arg4[%get3A_91, %get3A_92, %get3A_93] : memref<1x32x16xf32, #tpu.memory_space<vmem>>, vector<1x8x16xf32>
    %get3A_95 = vector.shape_cast %get3A_94 : vector<1x8x16xf32> to vector<8x16xf32>
    %dot_general3A_96 = arith.constant dense<0.000000e+00> : vector<16x256xf32>
    %dot_general3A_97 = tpu.matmul %get3A_95, %slice3A_88, %dot_general3A_96 {dimension_numbers = #tpu.dot_dimension_numbers<[0], [0], [1], [1], [0, 1, 1, 1], [], []>, transpose_lhs_hint = false} : vector<8x16xf32>, vector<8x256xf32>, vector<16x256xf32> -> vector<16x256xf32>
    %reduce_max3A_98 = arith.constant dense<0xFF800000> : vector<256xf32>
    %reduce_max3A_99 = vector.multi_reduction <maximumf>, %dot_general3A_97, %reduce_max3A_98 [0] : vector<16x256xf32> to vector<256xf32>
    %broadcast_in_dim3A_100 = vector.shape_cast %reduce_max3A_99 : vector<256xf32> to vector<1x256xf32>
    %sub3A_101 = vector.broadcast %broadcast_in_dim3A_100 : vector<1x256xf32> to vector<16x256xf32>
    %sub3A_102 = arith.subf %dot_general3A_97, %sub3A_101 : vector<16x256xf32>
    %exp3A_103 = math.exp %sub3A_102 : vector<16x256xf32>
    %reduce_sum3A_104 = arith.constant dense<0.000000e+00> : vector<256xf32>
    %reduce_sum3A_105 = vector.multi_reduction <add>, %exp3A_103, %reduce_sum3A_104 [0] : vector<16x256xf32> to vector<256xf32>
    %broadcast_in_dim3A_106 = vector.shape_cast %reduce_sum3A_105 : vector<256xf32> to vector<1x256xf32>
    %div3A_107 = vector.broadcast %broadcast_in_dim3A_106 : vector<1x256xf32> to vector<16x256xf32>
    %div3A_108 = arith.divf %exp3A_103, %div3A_107 : vector<16x256xf32>
    %get3A_109 = arith.constant 0 : index
    %get3A_110 = arith.constant 2 : index
    %get3A_111 = arith.constant 0 : index
    %get3A_112 = vector.load %arg3[%get3A_109, %get3A_110, %get3A_111] : memref<1x4x16xf32, #tpu.memory_space<vmem>>, vector<1x1x16xf32>
    %get3A_113 = vector.shape_cast %get3A_112 : vector<1x1x16xf32> to vector<1x16xf32>
    %get3A_114 = arith.constant 0 : index
    %get3A_115 = arith.constant 16 : index
    %get3A_116 = arith.constant 0 : index
    %get3A_117 = vector.load %arg5[%get3A_114, %get3A_115, %get3A_116] : memref<1x32x16xf32, #tpu.memory_space<vmem>>, vector<1x8x16xf32>
    %get3A_118 = vector.shape_cast %get3A_117 : vector<1x8x16xf32> to vector<8x16xf32>
    %mul3A_119 = vector.broadcast %get3A_113 : vector<1x16xf32> to vector<8x16xf32>
    %mul3A_120 = arith.mulf %get3A_118, %mul3A_119 : vector<8x16xf32>
    %concatenate3A_121 = tpu.concatenate %mul3A_120, %get3A_113 in 0 : vector<8x16xf32>, vector<1x16xf32> -> vector<9x16xf32>
    %dot_general3A_122 = arith.constant dense<0.000000e+00> : vector<9x256xf32>
    %dot_general3A_123 = tpu.matmul %concatenate3A_121, %div3A_108, %dot_general3A_122 {dimension_numbers = #tpu.dot_dimension_numbers<[1], [0], [0], [1], [0, 0, 1, 1], [], []>, transpose_lhs_hint = false} : vector<9x16xf32>, vector<16x256xf32>, vector<9x256xf32> -> vector<9x256xf32>
    %slice3A_124 = vector.extract_strided_slice %dot_general3A_123 {offsets = [0, 0], sizes = [8, 256], strides = [1, 1]} : vector<9x256xf32> to vector<8x256xf32>
    %add3A_125 = arith.addf %slice3A_89, %slice3A_124 : vector<8x256xf32>
    %slice3A_126 = vector.extract_strided_slice %dot_general3A_123 {offsets = [8, 0], sizes = [1, 256], strides = [1, 1]} : vector<9x256xf32> to vector<1x256xf32>
    %mul3A_127 = vector.broadcast %slice3A_126 : vector<1x256xf32> to vector<8x256xf32>
    %mul3A_128 = arith.mulf %slice3A_90, %mul3A_127 : vector<8x256xf32>
    %sub3A_129 = arith.subf %add3A_125, %mul3A_128 : vector<8x256xf32>
    %swap3A_130 = arith.constant 0 : index
    %swap3A_131 = arith.constant 16 : index
    %swap3A_132 = arith.constant 0 : index
    %swap3A_133 = vector.load %arg6[%swap3A_130, %swap3A_131, %swap3A_132] : memref<1x32x256xf32, #tpu.memory_space<vmem>>, vector<1x8x256xf32>
    %swap3A_134 = vector.shape_cast %swap3A_133 : vector<1x8x256xf32> to vector<8x256xf32>
    %swap3A_135 = vector.shape_cast %sub3A_129 : vector<8x256xf32> to vector<1x8x256xf32>
    tpu.vector_store %arg6[%swap3A_130, %swap3A_131, %swap3A_132], %swap3A_135 {strides = array<i32>} : memref<1x32x256xf32, #tpu.memory_space<vmem>>, vector<1x8x256xf32>,
    %slice3A_136 = vector.extract_strided_slice %get3A_3 {offsets = [24, 0], sizes = [8, 256], strides = [1, 1]} : vector<128x256xf32> to vector<8x256xf32>
    %slice3A_137 = vector.extract_strided_slice %get3A_3 {offsets = [88, 0], sizes = [8, 256], strides = [1, 1]} : vector<128x256xf32> to vector<8x256xf32>
    %slice3A_138 = vector.extract_strided_slice %get3A_3 {offsets = [120, 0], sizes = [8, 256], strides = [1, 1]} : vector<128x256xf32> to vector<8x256xf32>
    %get3A_139 = arith.constant 0 : index
    %get3A_140 = arith.constant 24 : index
    %get3A_141 = arith.constant 0 : index
    %get3A_142 = vector.load %arg4[%get3A_139, %get3A_140, %get3A_141] : memref<1x32x16xf32, #tpu.memory_space<vmem>>, vector<1x8x16xf32>
    %get3A_143 = vector.shape_cast %get3A_142 : vector<1x8x16xf32> to vector<8x16xf32>
    %dot_general3A_144 = arith.constant dense<0.000000e+00> : vector<16x256xf32>
    %dot_general3A_145 = tpu.matmul %get3A_143, %slice3A_136, %dot_general3A_144 {dimension_numbers = #tpu.dot_dimension_numbers<[0], [0], [1], [1], [0, 1, 1, 1], [], []>, transpose_lhs_hint = false} : vector<8x16xf32>, vector<8x256xf32>, vector<16x256xf32> -> vector<16x256xf32>
    %reduce_max3A_146 = arith.constant dense<0xFF800000> : vector<256xf32>
    %reduce_max3A_147 = vector.multi_reduction <maximumf>, %dot_general3A_145, %reduce_max3A_146 [0] : vector<16x256xf32> to vector<256xf32>
    %broadcast_in_dim3A_148 = vector.shape_cast %reduce_max3A_147 : vector<256xf32> to vector<1x256xf32>
    %sub3A_149 = vector.broadcast %broadcast_in_dim3A_148 : vector<1x256xf32> to vector<16x256xf32>
    %sub3A_150 = arith.subf %dot_general3A_145, %sub3A_149 : vector<16x256xf32>
    %exp3A_151 = math.exp %sub3A_150 : vector<16x256xf32>
    %reduce_sum3A_152 = arith.constant dense<0.000000e+00> : vector<256xf32>
    %reduce_sum3A_153 = vector.multi_reduction <add>, %exp3A_151, %reduce_sum3A_152 [0] : vector<16x256xf32> to vector<256xf32>
    %broadcast_in_dim3A_154 = vector.shape_cast %reduce_sum3A_153 : vector<256xf32> to vector<1x256xf32>
    %div3A_155 = vector.broadcast %broadcast_in_dim3A_154 : vector<1x256xf32> to vector<16x256xf32>
    %div3A_156 = arith.divf %exp3A_151, %div3A_155 : vector<16x256xf32>
    %get3A_157 = arith.constant 0 : index
    %get3A_158 = arith.constant 3 : index
    %get3A_159 = arith.constant 0 : index
    %get3A_160 = vector.load %arg3[%get3A_157, %get3A_158, %get3A_159] : memref<1x4x16xf32, #tpu.memory_space<vmem>>, vector<1x1x16xf32>
    %get3A_161 = vector.shape_cast %get3A_160 : vector<1x1x16xf32> to vector<1x16xf32>
    %get3A_162 = arith.constant 0 : index
    %get3A_163 = arith.constant 24 : index
    %get3A_164 = arith.constant 0 : index
    %get3A_165 = vector.load %arg5[%get3A_162, %get3A_163, %get3A_164] : memref<1x32x16xf32, #tpu.memory_space<vmem>>, vector<1x8x16xf32>
    %get3A_166 = vector.shape_cast %get3A_165 : vector<1x8x16xf32> to vector<8x16xf32>
    %mul3A_167 = vector.broadcast %get3A_161 : vector<1x16xf32> to vector<8x16xf32>
    %mul3A_168 = arith.mulf %get3A_166, %mul3A_167 : vector<8x16xf32>
    %concatenate3A_169 = tpu.concatenate %mul3A_168, %get3A_161 in 0 : vector<8x16xf32>, vector<1x16xf32> -> vector<9x16xf32>
    %dot_general3A_170 = arith.constant dense<0.000000e+00> : vector<9x256xf32>
    %dot_general3A_171 = tpu.matmul %concatenate3A_169, %div3A_156, %dot_general3A_170 {dimension_numbers = #tpu.dot_dimension_numbers<[1], [0], [0], [1], [0, 0, 1, 1], [], []>, transpose_lhs_hint = false} : vector<9x16xf32>, vector<16x256xf32>, vector<9x256xf32> -> vector<9x256xf32>
    %slice3A_172 = vector.extract_strided_slice %dot_general3A_171 {offsets = [0, 0], sizes = [8, 256], strides = [1, 1]} : vector<9x256xf32> to vector<8x256xf32>
    %add3A_173 = arith.addf %slice3A_137, %slice3A_172 : vector<8x256xf32>
    %slice3A_174 = vector.extract_strided_slice %dot_general3A_171 {offsets = [8, 0], sizes = [1, 256], strides = [1, 1]} : vector<9x256xf32> to vector<1x256xf32>
    %mul3A_175 = vector.broadcast %slice3A_174 : vector<1x256xf32> to vector<8x256xf32>
    %mul3A_176 = arith.mulf %slice3A_138, %mul3A_175 : vector<8x256xf32>
    %sub3A_177 = arith.subf %add3A_173, %mul3A_176 : vector<8x256xf32>
    %swap3A_178 = arith.constant 0 : index
    %swap3A_179 = arith.constant 24 : index
    %swap3A_180 = arith.constant 0 : index
    %swap3A_181 = vector.load %arg6[%swap3A_178, %swap3A_179, %swap3A_180] : memref<1x32x256xf32, #tpu.memory_space<vmem>>, vector<1x8x256xf32>
    %swap3A_182 = vector.shape_cast %swap3A_181 : vector<1x8x256xf32> to vector<8x256xf32>
    %swap3A_183 = vector.shape_cast %sub3A_177 : vector<8x256xf32> to vector<1x8x256xf32>
    tpu.vector_store %arg6[%swap3A_178, %swap3A_179, %swap3A_180], %swap3A_183 {strides = array<i32>} : memref<1x32x256xf32, #tpu.memory_space<vmem>>, vector<1x8x256xf32>,
    return
  }
  func.func @transform_0(%arg0: i32, %arg1: i32) -> (i32, i32, i32) {
    %c0_i32 = arith.constant 0 : i32
    %c0_i32_0 = arith.constant 0 : i32
    return %arg0, %c0_i32, %arg1 : i32, i32, i32
  }
  func.func @transform_1(%arg0: i32, %arg1: i32) -> (i32, i32, i32) {
    %c0_i32 = arith.constant 0 : i32
    %c0_i32_0 = arith.constant 0 : i32
    %c0_i32_1 = arith.constant 0 : i32
    return %arg0, %c0_i32, %c0_i32_0 : i32, i32, i32
  }
  func.func @transform_2(%arg0: i32, %arg1: i32) -> (i32, i32, i32) {
    %c0_i32 = arith.constant 0 : i32
    %c0_i32_0 = arith.constant 0 : i32
    %c0_i32_1 = arith.constant 0 : i32
    return %arg0, %c0_i32, %c0_i32_0 : i32, i32, i32
  }
  func.func @transform_3(%arg0: i32, %arg1: i32) -> (i32, i32, i32) {
    %c0_i32 = arith.constant 0 : i32
    %c0_i32_0 = arith.constant 0 : i32
    %c0_i32_1 = arith.constant 0 : i32
    return %arg0, %c0_i32, %c0_i32_0 : i32, i32, i32
  }
  func.func @transform_4(%arg0: i32, %arg1: i32) -> (i32, i32, i32) {
    %c0_i32 = arith.constant 0 : i32
    %c0_i32_0 = arith.constant 0 : i32
    return %arg0, %c0_i32, %arg1 : i32, i32, i32
  }
}

</mosaic_0001>

<sc_bundles>
// kernel: kernel.6.cloned.1.call-start
scs
__scs_entry_jumppad:
0x0: {  	(pc) =	sbr.rel $0x88, $3  }
0x1: {  	(tag) =	ssettag $0x0;
	lr =	simm.s32 $0x1  }
0x2: {  	[smem:$0x3F97] =	sst lr;
	_ =	strace $0xD0000000  }
0x3: {  	_ = 	snop  }
0x4: {  	_ = 	snop  }
0x5: {  	_ = 	snop  }
0x6: {  	_ = 	snop  }
0x7: {  	_ = 	snop  }
__scs_overlays_trampoline_lowered:
0x8: {  	[smem:$0x3FA6] =	sst s0  }
0x9: {  	[smem:$0x3FA7] =	sst s1  }
0xa: {  	[smem:$0x3FA8] =	sst s2  }
0xb: {  	[smem:$0x3FA9] =	sst s3  }
0xc: {  	[smem:$0x3FAA] =	sst s4  }
0xd: {  	[smem:$0x3FAB] =	sst s5  }
0xe: {  	[smem:$0x3FAC] =	sst s6  }
0xf: {  	[smem:$0x3FAD] =	sst s7  }
0x10: {  	[smem:$0x3FAE] =	sst s8  }
0x11: {  	[smem:$0x3FAF] =	sst s9;
	s0 =	simm.s32 @!p0 $0x0  }
0x12: {  	s1 =	sld [smem:$0x3F95];
	s0 =	simm.s32 @p0 $0x1  }
0x13: {  	[smem:$0x3FB0] =	sst s0;
	s0 =	simm.s32 @!p1 $0x0  }
0x14: {  	s2 =	sld [smem:$0x3F94];
	s0 =	simm.s32 @p1 $0x1  }
0x15: {  	[smem:$0x3FB1] =	sst s0;
	s0 =	simm.s32 @!p2 $0x0  }
0x16: {  	s3 =	sld [smem:$0x3FDB];
	s0 =	simm.s32 @p2 $0x1  }
0x17: {  	s4 =	simm.s32 $0x1BF5;
	[smem:$0x3FB3] =	sst s0  }
0x18: {  	s0 =	sld [smem:$0x3F96];
	_ =	swait.ge [sflag:s4], $0x0  }
0x19: {  	s7 =	sld [smem:$0x3F97]  }
0x1a: {  	s8 =	sadd.s32 $0xFFFFE003, lr  }
0x1b: {  	s9 =	sadd.s32 $0xFFFFFEF7, lr;
	s5 =	simm.s32 $0xFFFFFFFF;
	p2 =	slt.u32 s8, $0xFFFFF086  }
0x1c: {  	p1 =	slt.u32 s9, $0xF7A;
	s5 =	simm.s32 @!p2 $0x0  }
0x1d: {  	s5 =	simm.s32 @p1 $0x1;
	p0 =	seq.s32 s7, s2  }
0x1e: {  	s7 =	smul.u32 @!p0 $0xF7A, s2;
	p2 =	seq.s32 @!p0 s5, $0x0  }
0x1f: {  	s9 =	smul.u32 $0xF7A, s1;
	s8 =	simm.s32 @!p0 $0x1BF5;
	p2 =	por !p2, p0  }
0x20: {  	[sflag:s8] =	ssyncset.s32 @!p0 $0xFFFFF086;
	s6 =	sadd.s32 @!p0 s3, s7;
	s7 =	simm.s32 @!p0 $0x108  }
0x21: {  	s3 =	sadd.s32 s3, s9;
	s6 =	sadd.s32 @!p0 $0x88, s6;
	s7 =	simm.s32 @p2 $0x1082  }
0x22: {  	[simem:s7], [sflag:s8] =	dma.local @!p0 [hbm:s6], $0xF7A  }
0x23: {  	s9 =	sor.u32 $0xD0000000, s2;
	s6 =	simm.s32 $0x108;
	_ =	swait.ge @!p0 [sflag:s8], $0x0  }
0x24: {  	s3 =	sadd.s32 $0x88, s3;
	s6 =	simm.s32 @!p1 $0x1082;
	[sflag:s4] =	ssyncset.s32 $0xFFFFF086  }
0x25: {  	[simem:s6], [sflag:s4] =	dma.local [hbm:s3], $0xF7A  }
0x26: {  	[smem:$0x3F97] =	sst s1;
	(tag) =	ssettag s2;
	_ =	strace s9  }
0x27: {  	s1 =	sld [smem:$0x3FA7]  }
0x28: {  	s2 =	sld [smem:$0x3FA8]  }
0x29: {  	s4 =	sld [smem:$0x3FAA]  }
0x2a: {  	p0 =	seq.s32 s5, $0x0;
	s5 =	sld [smem:$0x3FAB]  }
0x2b: {  	s6 =	sld [smem:$0x3FAC]  }
0x2c: {  	s7 =	sld [smem:$0x3FAD]  }
0x2d: {  	s3 =	simm.s32 $0x108;
	s8 =	sld [smem:$0x3FAE]  }
0x2e: {  	s3 =	simm.s32 @!p0 $0x1082;
	s9 =	sld [smem:$0x3FAF]  }
0x2f: {  	lr =	sadd.s32 s0, s3;
	s0 =	sld [smem:$0x3FA6]  }
0x30: {  	s3 =	sld [smem:$0x3FA9]  }
0x31: {  	[smem:$0x3FB2] =	sst s10  }
0x32: {  	s10 =	sld [smem:$0x3FB0];
	_ =	sdelay $0x3  }
0x33: {  	p0 =	seq.s32 s10, $0x1;
	s10 =	sld [smem:$0x3FB2];
	_ =	sdelay $0x3  }
0x34: {  	[smem:$0x3FB2] =	sst s10  }
0x35: {  	s10 =	sld [smem:$0x3FB1];
	_ =	sdelay $0x3  }
0x36: {  	p1 =	seq.s32 s10, $0x1;
	s10 =	sld [smem:$0x3FB2];
	_ =	sdelay $0x3  }
0x37: {  	[smem:$0x3FB2] =	sst s10  }
0x38: {  	s10 =	sld [smem:$0x3FB3]  }
0x39: {  	_ = 	snop;
	(pc) =	sbr.ind lr, $3  }
0x3a: {  	_ = 	snop  }
0x3b: {  	_ = 	snop  }
0x3c: {  	p2 =	seq.s32 s10, $0x1;
	s10 =	sld [smem:$0x3FB2]  }
0x3d: {  	_ =	shalt  }
0x3e: {  	_ =	shalt  }
0x3f: {  	_ =	shalt  }
0x40: {  	_ =	shalt  }
0x41: {  	_ =	shalt  }
0x42: {  	_ =	shalt  }
0x43: {  	_ =	shalt  }
0x44: {  	_ =	shalt  }
0x45: {  	_ =	shalt  }
0x46: {  	_ =	shalt  }
0x47: {  	_ =	shalt  }
0x48: {  	_ =	shalt  }
0x49: {  	_ =	shalt  }
0x4a: {  	_ =	shalt  }
0x4b: {  	_ =	shalt  }
0x4c: {  	_ =	shalt  }
0x4d: {  	_ =	shalt  }
0x4e: {  	_ =	shalt  }
0x4f: {  	_ =	shalt  }
0x50: {  	_ =	shalt  }
0x51: {  	_ =	shalt  }
0x52: {  	_ =	shalt  }
0x53: {  	_ =	shalt  }
0x54: {  	_ =	shalt  }
0x55: {  	_ =	shalt  }
0x56: {  	_ =	shalt  }
0x57: {  	_ =	shalt  }
0x58: {  	_ =	shalt  }
0x59: {  	_ =	shalt  }
0x5a: {  	_ =	shalt  }
0x5b: {  	_ =	shalt  }
0x5c: {  	_ =	shalt  }
0x5d: {  	_ =	shalt  }
0x5e: {  	_ =	shalt  }
0x5f: {  	_ =	shalt  }
0x60: {  	_ =	shalt  }
0x61: {  	_ =	shalt  }
0x62: {  	_ =	shalt  }
0x63: {  	_ =	shalt  }
0x64: {  	_ =	shalt  }
0x65: {  	_ =	shalt  }
0x66: {  	_ =	shalt  }
0x67: {  	_ =	shalt  }
0x68: {  	_ =	shalt  }
0x69: {  	_ =	shalt  }
0x6a: {  	_ =	shalt  }
0x6b: {  	_ =	shalt  }
0x6c: {  	_ =	shalt  }
0x6d: {  	_ =	shalt  }
0x6e: {  	_ =	shalt  }
0x6f: {  	_ =	shalt  }
0x70: {  	_ =	shalt  }
0x71: {  	_ =	shalt  }
0x72: {  	_ =	shalt  }
0x73: {  	_ =	shalt  }
0x74: {  	_ =	shalt  }
0x75: {  	_ =	shalt  }
0x76: {  	_ =	shalt  }
0x77: {  	_ =	shalt  }
0x78: {  	_ =	shalt  }
0x79: {  	_ =	shalt  }
0x7a: {  	_ =	shalt  }
0x7b: {  	_ =	shalt  }
0x7c: {  	_ =	shalt  }
0x7d: {  	_ =	shalt  }
0x7e: {  	_ =	shalt  }
0x7f: {  	_ =	shalt  }
0x80: {  	_ =	shalt  }
0x81: {  	_ =	shalt  }
0x82: {  	_ =	shalt  }
0x83: {  	_ =	shalt  }
0x84: {  	_ =	shalt  }
0x85: {  	_ =	shalt  }
0x86: {  	_ =	shalt  }
0x87: {  	_ =	shalt  }
.Lfunc_end0:
.L_simem_size_0:
called_computation_lowered:
.L_overlay_start_0:
0x88: {  	s2 =	sld [smem:$0x3FD9]  }
0x89: {  	s3 =	sld [smem:$0x3FFE];
	_ =	sdelay $0x1  }
0x8a: {  	s1 =	srdreg.scid  }
0x8b: {  	s0 =	sand.u32 $0x1, s1  }
0x8c: {  	s17 =	sshll.u32 s0, $0xA;
	s2 =	sadd.s32 s3, s2  }
0x8d: {  	s2 =	sadd.s32 s2, s17  }
0x8e: {  	[smem:$0x3FBE] =	sst s2  }
0x8f: {  	_ = 	snop  }
0x90: {  	s2 =	sld [smem:$0x3FD0];
	(tm) =	ssettm $0x1  }
0x91: {  	s18 =	sld [smem:$0x3FFB];
	_ =	sdelay $0x3  }
0x92: {  	_ =	strace s18  }
0x93: {  	s3 =	sld [smem:$0x3FFC];
	_ =	sdelay $0x3  }
0x94: {  	_ =	strace s3  }
0x95: {  	s3 =	sld [smem:$0x3FFD];
	_ =	sdelay $0x3  }
0x96: {  	_ =	strace s3  }
0x97: {  	_ =	strace $0x8FFFFFFF  }
0x98: {  	s19 =	sld [smem:$0x3FDB];
	_ =	sdelay $0x1  }
0x99: {  	s4 =	simm.s32 $_scs_section_size  }
0x9a: {  	s5 =	simm.s32 $_size__tile_overlayer_lowered;
	s6 =	simm.s32 $_tile_overlayer_lowered  }
0x9b: {  	s22 =	simm.s32 $0x1BFF;
	s21 =	sshll.u32 s6, $0x1;
	s3 =	sadd.s32 s4, s19  }
0x9c: {  	s7 =	simm.s32 $0x0;
	s20 =	sshll.u32 s5, $0x1;
	s5 =	sadd.s32 s21, s3  }
0x9d: {  	[timem:s7], [sflag:s22] =	dma.local [hbm:s5], s20  }
0x9e: {  	_ =	swait.ge [sflag:s22], s20  }
0x9f: {  	s4 =	ssub.s32 $0x0, s20;
	[sflag:s22] =	ssyncset.done $0x0  }
0xa0: {  	[sflag:s22] =	ssyncadd.s32 s4;
	_ =	sdelay $0x1  }
0xa1: {  	s23 =	simm.s32 $0x1B8B  }
0xa2: {  	_ =	swait.ge [sflag:s23], $0x1  }
0xa3: {  	[sflag:s23] =	ssyncset.done $0x0  }
0xa4: {  	s25 =	simm.s32 $0x1B8E;
	s24 =	sld [smem:$0x3FFE];
	[sflag:s23] =	ssyncadd.s32 $0xFFFFFFFF  }
0xa5: {  	s26 =	simm.s32 $execute0_lowered;
	[smem:$0x3FD2] =	sst s25  }
0xa6: {  	s5 =	sshll.u32 s26, $0x1;
	_ =	strace $0x80000046;
	[dreg:$0x1] =	wrdreg $0xFFFFFFFF  }
0xa7: {  	s28 =	simm.s32 $_size_execute0_lowered;
	s3 =	sadd.s32 s3, s5;
	[dreg:$0x0] =	wrdreg $0x0  }
0xa8: {  	s5 =	sshll.u32 s28, $0x1;
	[dreg:$0x2] =	wrdreg s3  }
0xa9: {  	[dreg:$0x3] =	wrdreg s5  }
0xaa: {  	[dreg:$0x4] =	wrdreg $0xC0  }
0xab: {  	_ =	task [dreg:s7], $0x5FFFF  }
0xac: {  	[dreg:$0x1] =	wrdreg $0xFFFFFFFF  }
0xad: {  	[dreg:$0x0] =	wrdreg $0x60  }
0xae: {  	[dreg:$0x2] =	wrdreg s2  }
0xaf: {  	[dreg:$0x3] =	wrdreg s24  }
0xb0: {  	[dreg:$0x4] =	wrdreg $0x9  }
0xb1: {  	_ =	task.clear_ibuf [dreg:s7], $0x5FFFF;
	_ =	strace $0x90000046  }
0xb2: {  	s29 =	simm.s32 $0x9;
	_ =	strace $0x80000048  }
0xb3: {  	_ =	swait.ge [sflag:s29], $0x1  }
0xb4: {  	[sflag:s29] =	ssyncadd.s32 $0xFFFFFFFF  }
0xb5: {  	_ =	strace $0x90000048  }
0xb6: {  	_ =	sfence  }
0xb7: {  	s30 =	sld [smem:$0x0];
	_ =	sdelay $0x2  }
0xb8: {  	s31 =	sshll.u32 s1, $0xD;
	s1 =	sshrl.u32 s1, $0x2  }
0xb9: {  	s3 =	sand.u32 $0x4000, s31;
	s1 =	sadd.s32 s1, s30  }
0xba: {  	s0 =	sor.u32 s3, s0;
	s1 =	sshll.u32 s1, $0x11  }
0xbb: {  	s0 =	sor.u32 s1, s0  }
0xbc: {  	s0 =	sadd.s32 $0x8F2B, s0  }
0xbd: {  	[sflag:s0] =	ssyncadd.remote.s32 $0x1  }
0xbe: {  	_ =	sfence.sel $0xFFFF  }
0xbf: {  	[dreg:$0x0] =	wrdreg $0xFFFFFFFF;
	(pc) =	sbr.abs _section_cstart, $3  }
0xc0: {  	[dreg:$0x1] =	wrdreg $0xFFFFFFFF  }
0xc1: {  	_ =	task.clear_ibuf [dreg:s7], $0x2FFFF;
	_ =	strace $0x9FFFFFFF  }
0xc2: {  	(tm) =	ssettm $0x7FFFFFFF  }
0xc3: {  	_ =	shalt  }
tec
execute0_lowered:
.L_overlay_start_1:
0x0: {  	(tag) =	ssettag $0x1  }
0x1: {  	s1 =	srdreg.scid;
	s5 =	rddreg [dreg:$0x0]  }
0x2: {  	s0 =	stileid.u32;
	s7 =	rddreg [dreg:$0x1];
	s10 =	simm.s32 $0x0  }
0x3: {  	s3 =	sand.u32 $0x1, s1;
	s29 =	sshll.u32 s0, $0x1;
	s2 =	sshrl.u32 s0, $0x3  }
0x4: {  	s9 =	sshrl.u32 s0, $0x1;
	s4 =	sor.u32 s3, s29;
	s8 =	smul.u32 $0x27100, s2  }
0x5: {  	s2 =	simm.s32 $0x0;
	s9 =	smul.u32 $0x27100, s9;
	s1 =	sand.u32 $0x3, s4  }
0x6: {  	s3 =	ssub.s32 $0x2, s3;
	[smem:$0x7FF] =	sst s2;
	s6 =	smul.u32 $0x9C40, s1  }
0x7: {  	v0 =	vimm.f32 $0.0e+00;
	s4 =	smul.u32 $0x4E2, s4;
	s30 =	sshrl.u32 s3, $0x1;
	s1 =	rddreg [dreg:$0x2]  }
0x8: {  	vm0 =	vcmask $0x704;
	vm1 =	vcmask $0xB08;
	vm14 =	vcmask $0x3F3C;
	_ =	strace $0x80000047;
	s31 =	ssub.s32 s3, s30;
	s8 =	sadd.s32 s8, s6  }
0x9: {  	vm2 =	vcmask $0xF0C;
	vm3 =	vcmask $0x1310;
	vm4 =	vcmask $0x1714;
	s6 =	sadd.s32 s9, s6;
	s9 =	simm.s32 $0x13900;
	s8 =	sshrl.u32 s8, $0x3  }
0xa: {  	vm5 =	vcmask $0x1B18;
	vm6 =	vcmask $0x1F1C;
	vm7 =	vcmask $0x2320;
	s6 =	sshrl.u32 s6, $0x3;
	s8 =	sadd.s32 s8, s7;
	s7 =	sadd.s32 s4, s7  }
0xb: {  	vm8 =	vcmask $0x2724;
	vm9 =	vcmask $0x2B28;
	vm10 =	vcmask $0x2F2C;
	s3 =	sadd.s32 s5, s6;
	s6 =	smax.u32 s31, $0x1;
	s4 =	sadd.s32 $0x2200, s8  }
0xc: {  	vm11 =	vcmask $0x3330;
	vm12 =	vcmask $0x3734;
	vm13 =	vcmask $0x3B38;
	s5 =	sadd.s32 $0xC000, s7;
	s7 =	simm.s32 $0x1;
	s8 =	simm.s32 $0x9C80  }
.LBB2_1:
0xd: {  	s11 =	simm.s32 $0x40;
	s12 =	simm.s32 $0x0  }
.LBB2_2:
0xe: {  	p0 =	sne.s32 s11, $0x9C00;
	[tilespmem:s12+$0x13900] =	vst v0;
	s12 =	smov.u32 s11;
	s11 =	sadd.s32 $0x40, s11  }
.Ltmp0:
0xf: {  	(pc) =	sbr.rel @p0 .LBB2_2-.Ltmp0, $2  }
0x10: {  	_ =	sdelay $0x2  }
0x11: {  	s12 =	sshra.s32 s12, $0x2  }
0x12: {  	[tilespmem:s12+$0x13900] =	vst v0;
	s11 =	simm.s32 $0x0  }
0x13: {  	[tilespmem:s11], [sflag:$0x1] =	stream.linear.gather [hbm4b:s3+s11], $0x9C40, $0x38;
	[tilespmem:$0x16080] =	vst v63  }
0x14: {  	_ =	swait.ge [sflag:s7], $0x9C40  }
0x15: {  	[sflag:s7] =	ssyncset.done $0x0  }
0x16: {  	[sflag:s7] =	ssyncadd.s32 $0xFFFF63C0  }
0x17: {  	[tilespmem:s8], [sflag:$0x1] =	stream.linear.gather [hbm4b:s4+s11], $0x9C40, $0x38;
	[tilespmem:$0x16080] =	vst v63  }
0x18: {  	_ =	swait.ge [sflag:s7], $0x9C40  }
0x19: {  	[sflag:s7] =	ssyncset.done $0x0  }
0x1a: {  	s31 =	simm.s32 $0x0;
	[sflag:s7] =	ssyncadd.s32 $0xFFFF63C0  }
0x1b: {  	v1 =	vld [tilespmem:s31+$0x9C80];
	_ =	sdelay $0x2  }
0x1c: {  	v2 =	vld [tilespmem:s31+$0x0];
	_ =	sdelay $0x4  }
0x1d: {  	[tilespmem:v1+s9+$0x0] =	vst.idx.add.f32.msk $0x1, v2  }
0x1e: {  	[tilespmem:v1+s9+$0x0] =	vst.idx.add.f32.msk vm0, v2  }
0x1f: {  	[tilespmem:v1+s9+$0x0] =	vst.idx.add.f32.msk vm1, v2  }
0x20: {  	[tilespmem:v1+s9+$0x0] =	vst.idx.add.f32.msk vm2, v2  }
0x21: {  	[tilespmem:v1+s9+$0x0] =	vst.idx.add.f32.msk vm3, v2  }
0x22: {  	[tilespmem:v1+s9+$0x0] =	vst.idx.add.f32.msk vm4, v2  }
0x23: {  	[tilespmem:v1+s9+$0x0] =	vst.idx.add.f32.msk vm5, v2  }
0x24: {  	[tilespmem:v1+s9+$0x0] =	vst.idx.add.f32.msk vm6, v2  }
0x25: {  	[tilespmem:v1+s9+$0x0] =	vst.idx.add.f32.msk vm7, v2  }
0x26: {  	[tilespmem:v1+s9+$0x0] =	vst.idx.add.f32.msk vm8, v2  }
0x27: {  	[tilespmem:v1+s9+$0x0] =	vst.idx.add.f32.msk vm9, v2  }
0x28: {  	[tilespmem:v1+s9+$0x0] =	vst.idx.add.f32.msk vm10, v2  }
0x29: {  	[tilespmem:v1+s9+$0x0] =	vst.idx.add.f32.msk vm11, v2  }
0x2a: {  	[tilespmem:v1+s9+$0x0] =	vst.idx.add.f32.msk vm12, v2  }
0x2b: {  	s12 =	simm.s32 $0x80;
	s11 =	simm.s32 $0x40;
	[tilespmem:v1+s9+$0x0] =	vst.idx.add.f32.msk vm13, v2  }
.LBB2_4:
0x2c: {  	p0 =	sne.s32 s12, $0x270C0  }
0x2d: {  	s13 =	sshra.s32 s11, $0x2;
	[tilespmem:v1+s9+$0x0] =	vst.idx.add.f32.msk vm14, v2;
	s11 =	smov.u32 s12;
	s12 =	sadd.s32 $0x40, s12  }
0x2e: {  	v1 =	vld [tilespmem:s13+$0x9C80];
	_ =	sdelay $0x2  }
0x2f: {  	v2 =	vld [tilespmem:s13+$0x0];
	_ =	sdelay $0x4  }
0x30: {  	[tilespmem:v1+s9+$0x0] =	vst.idx.add.f32.msk $0x1, v2  }
0x31: {  	[tilespmem:v1+s9+$0x0] =	vst.idx.add.f32.msk vm0, v2  }
0x32: {  	[tilespmem:v1+s9+$0x0] =	vst.idx.add.f32.msk vm1, v2  }
0x33: {  	[tilespmem:v1+s9+$0x0] =	vst.idx.add.f32.msk vm2, v2  }
0x34: {  	[tilespmem:v1+s9+$0x0] =	vst.idx.add.f32.msk vm3, v2  }
0x35: {  	[tilespmem:v1+s9+$0x0] =	vst.idx.add.f32.msk vm4, v2  }
0x36: {  	[tilespmem:v1+s9+$0x0] =	vst.idx.add.f32.msk vm5, v2  }
0x37: {  	[tilespmem:v1+s9+$0x0] =	vst.idx.add.f32.msk vm6, v2  }
0x38: {  	[tilespmem:v1+s9+$0x0] =	vst.idx.add.f32.msk vm7, v2  }
0x39: {  	[tilespmem:v1+s9+$0x0] =	vst.idx.add.f32.msk vm8, v2  }
.Ltmp1:
0x3a: {  	[tilespmem:v1+s9+$0x0] =	vst.idx.add.f32.msk vm9, v2;
	(pc) =	sbr.rel @p0 .LBB2_4-.Ltmp1, $4  }
0x3b: {  	[tilespmem:v1+s9+$0x0] =	vst.idx.add.f32.msk vm10, v2  }
0x3c: {  	[tilespmem:v1+s9+$0x0] =	vst.idx.add.f32.msk vm11, v2  }
0x3d: {  	[tilespmem:v1+s9+$0x0] =	vst.idx.add.f32.msk vm12, v2  }
0x3e: {  	[tilespmem:v1+s9+$0x0] =	vst.idx.add.f32.msk vm13, v2  }
0x3f: {  	_ =	sdelay $0x4  }
0x40: {  	s11 =	sshra.s32 s11, $0x2;
	[tilespmem:v1+s9+$0x0] =	vst.idx.add.f32.msk vm14, v2  }
0x41: {  	v1 =	vld [tilespmem:s11+$0x9C80];
	_ =	sdelay $0x2  }
0x42: {  	v2 =	vld [tilespmem:s11+$0x0];
	_ =	sdelay $0x4  }
0x43: {  	[tilespmem:v1+s9+$0x0] =	vst.idx.add.f32.msk $0x1, v2  }
0x44: {  	[tilespmem:v1+s9+$0x0] =	vst.idx.add.f32.msk vm0, v2  }
0x45: {  	[tilespmem:v1+s9+$0x0] =	vst.idx.add.f32.msk vm1, v2  }
0x46: {  	[tilespmem:v1+s9+$0x0] =	vst.idx.add.f32.msk vm2, v2  }
0x47: {  	[tilespmem:v1+s9+$0x0] =	vst.idx.add.f32.msk vm3, v2  }
0x48: {  	[tilespmem:v1+s9+$0x0] =	vst.idx.add.f32.msk vm4, v2  }
0x49: {  	[tilespmem:v1+s9+$0x0] =	vst.idx.add.f32.msk vm5, v2  }
0x4a: {  	[tilespmem:v1+s9+$0x0] =	vst.idx.add.f32.msk vm6, v2  }
0x4b: {  	[tilespmem:v1+s9+$0x0] =	vst.idx.add.f32.msk vm7, v2  }
0x4c: {  	[tilespmem:v1+s9+$0x0] =	vst.idx.add.f32.msk vm8, v2  }
0x4d: {  	[tilespmem:v1+s9+$0x0] =	vst.idx.add.f32.msk vm9, v2  }
0x4e: {  	[tilespmem:v1+s9+$0x0] =	vst.idx.add.f32.msk vm10, v2  }
0x4f: {  	[tilespmem:v1+s9+$0x0] =	vst.idx.add.f32.msk vm11, v2  }
0x50: {  	s10 =	sadd.s32 $0x1, s10;
	[tilespmem:v1+s9+$0x0] =	vst.idx.add.f32.msk vm12, v2  }
0x51: {  	p0 =	sne.s32 s10, s6;
	[tilespmem:v1+s9+$0x0] =	vst.idx.add.f32.msk vm13, v2  }
.Ltmp2:
0x52: {  	[tilespmem:v1+s9+$0x0] =	vst.idx.add.f32.msk vm14, v2;
	(pc) =	sbr.rel @p0 .LBB2_1-.Ltmp2, $4  }
0x53: {  	[hbm4b:s5+s2] =	stream.linear.scatter [tilespmem:s9], [sflag:$0x1], $0x2710, $0x38;
	[tilespmem:$0x16080] =	vst v63  }
0x54: {  	_ =	swait.ge [sflag:s7], $0x2710  }
0x55: {  	[sflag:s7] =	ssyncset.done $0x0  }
0x56: {  	[sflag:s7] =	ssyncadd.s32 $0xFFFFD8F0  }
0x57: {  	_ =	sfence.sel $0x180000  }
0x58: {  	[bflag:$0x0] =	sbarrier.arrive $0xFFFF  }
0x59: {  	p0 =	sne.s32 s0, $0x0;
	_ =	strace $0x90000047  }
0x5a: {  	s0 =	sadd.s32 @!p0 $0x100000, s1;
	[bflag:$0x2] =	sbarrier.arrive $0xFFFF  }
0x5b: {  	[sflag:s0] =	ssyncadd.tile.s32 @!p0 $0x1;
	_ =	shalt  }
.Lfunc_end2:
_tile_overlayer_lowered:
.L_overlay_start_2:
0x5c: {  	(tag) =	ssettag $0x2  }
0x5d: {  	s0 =	rddreg [dreg:$0x0];
	s2 =	stileid.u32  }
0x5e: {  	s1 =	rddreg [dreg:$0x1];
	p0 =	sne.s32 s2, $0x0  }
0x5f: {  	s3 =	rddreg [dreg:$0x2];
	[bflag:$0x3] =	sbarrier.arrive $0xFFFF;
	s2 =	simm.s32 @!p0 $0x1C01  }
0x60: {  	[timem:s3], [sflag:s2] =	dma.local @!p0 [hbm:s0], s1  }
0x61: {  	s0 =	simm.s32 @!p0 $0x1  }
0x62: {  	_ =	swait.ge @!p0 [sflag:s0], s1  }
0x63: {  	s1 =	ssub.s32 @!p0 $0x0, s1;
	[sflag:s0] =	ssyncset.done @!p0 $0x0  }
0x64: {  	[sflag:s0] =	ssyncadd.s32 @!p0 s1  }
0x65: {  	[bflag:$0x3] =	sbarrier.arrive $0xFFFF  }
0x66: {  	_ =	shalt  }

</sc_bundles>
